<compile_context>
chip_gen: v7x
topology: tpu7x:2x2x1
jax: 0.10.2.dev20260603
libtpu: 0.0.44.dev20260713+nightly
codegen_flags: <defaults>
</compile_context>

<pallas_src>
import jax
import jax.numpy as jnp
from jax import lax
from jax.experimental import pallas as pl
from jax.experimental.pallas import tpu as pltpu
from jax.experimental.pallas import tpu_sc as plsc

_IOU_THR = 0.5
_SCORE_THR = 0.05
_MAX_OUT = 100

_C = 80
_NTRIP = 27
_N_PAD = 5136
_NCHUNK = _N_PAD // 16
_UNROLL = 3
assert _NCHUNK % _UNROLL == 0
_ROW_W = 128
_CNT_COL = 112
_NEG_INF = float("-inf")
_BIG_I32 = 2**31 - 1


def _nms_body(boxes_hbm, scores_hbm, out_hbm,
              x1_v, y1_v, x2_v, y2_v, ar_v, s0_v, s1_v, s2_v,
              r0_v, r1_v, r2_v):
    cid = lax.axis_index("c")
    sid = lax.axis_index("s")
    wid = sid * 2 + cid
    s_refs = (s0_v, s1_v, s2_v)
    row_refs = (r0_v, r1_v, r2_v)

    @pl.when(wid < _NTRIP)
    def _active():
        pltpu.sync_copy(boxes_hbm.at[0], x1_v)
        pltpu.sync_copy(boxes_hbm.at[1], y1_v)
        pltpu.sync_copy(boxes_hbm.at[2], x2_v)
        pltpu.sync_copy(boxes_hbm.at[3], y2_v)
        cs = [wid * 3 + j for j in range(3)]
        for j in range(3):
            pltpu.sync_copy(scores_hbm.at[cs[j]], s_refs[j])

        def _area_chunk(k, carry):
            for u in range(_UNROLL):
                sl = pl.ds(k * (16 * _UNROLL) + u * 16, 16)
                ar_v[sl] = (x2_v[sl] - x1_v[sl]) * (y2_v[sl] - y1_v[sl])
            return carry
        lax.fori_loop(0, _NCHUNK // _UNROLL, _area_chunk, 0)

        zero16 = jnp.zeros((16,), jnp.int32)
        for j in range(3):
            for k in range(_ROW_W // 16):
                row_refs[j][pl.ds(k * 16, 16)] = zero16

        lanes = lax.iota(jnp.int32, 16)

        def _allmax16(v):
            for sh in (8, 4, 2, 1):
                v = jnp.maximum(v, jnp.take(v, lanes ^ sh))
            return v

        def _allmin16(v):
            for sh in (8, 4, 2, 1):
                v = jnp.minimum(v, jnp.take(v, lanes ^ sh))
            return v

        def _fused_pass(picks):
            def _chunk(k, carry):
                rmaxs, ridxs = carry
                base = k * (16 * _UNROLL)
                for u in range(_UNROLL):
                    sl = pl.ds(base + u * 16, 16)
                    x1v = x1_v[sl]
                    y1v = y1_v[sl]
                    x2v = x2_v[sl]
                    y2v = y2_v[sl]
                    av = ar_v[sl]
                    idxv = lanes + (base + u * 16)
                    new_rmaxs, new_ridxs = [], []
                    for j in range(3):
                        x1i, y1i, x2i, y2i, ai = picks[j]
                        sv = s_refs[j][sl]
                        xx1 = jnp.maximum(x1i, x1v)
                        yy1 = jnp.maximum(y1i, y1v)
                        xx2 = jnp.minimum(x2i, x2v)
                        yy2 = jnp.minimum(y2i, y2v)
                        w = jnp.maximum(xx2 - xx1, 0.0)
                        h = jnp.maximum(yy2 - yy1, 0.0)
                        inter = w * h
                        denom = ai + av - inter
                        snew = jnp.where(inter + inter > denom,
                                         _NEG_INF, sv)
                        s_refs[j][sl] = snew
                        gt = snew > rmaxs[j]
                        new_rmaxs.append(jnp.where(gt, snew, rmaxs[j]))
                        new_ridxs.append(jnp.where(gt, idxv, ridxs[j]))
                    rmaxs, ridxs = new_rmaxs, new_ridxs
                return rmaxs, ridxs

            rmax0 = [jnp.full((16,), _NEG_INF, jnp.float32)] * 3
            ridx0 = [jnp.zeros((16,), jnp.int32)] * 3
            rmaxs, ridxs = lax.fori_loop(0, _NCHUNK // _UNROLL, _chunk,
                                         (rmax0, ridx0))
            ms, iis = [], []
            for j in range(3):
                mvec = _allmax16(rmaxs[j])
                masked = jnp.where(rmaxs[j] == mvec, ridxs[j], _BIG_I32)
                ms.append(mvec)
                iis.append(_allmin16(masked))
            return ms, iis

        def _init_chunk(k, carry):
            rmaxs, ridxs = carry
            base = k * (16 * _UNROLL)
            for u in range(_UNROLL):
                sl = pl.ds(base + u * 16, 16)
                idxv = lanes + (base + u * 16)
                new_rmaxs, new_ridxs = [], []
                for j in range(3):
                    v = s_refs[j][sl]
                    snew = jnp.where(v > _SCORE_THR, v, _NEG_INF)
                    s_refs[j][sl] = snew
                    gt = snew > rmaxs[j]
                    new_rmaxs.append(jnp.where(gt, snew, rmaxs[j]))
                    new_ridxs.append(jnp.where(gt, idxv, ridxs[j]))
                rmaxs, ridxs = new_rmaxs, new_ridxs
            return rmaxs, ridxs

        rmax0 = [jnp.full((16,), _NEG_INF, jnp.float32)] * 3
        ridx0 = [jnp.zeros((16,), jnp.int32)] * 3
        rmaxs0, ridxs0 = lax.fori_loop(0, _NCHUNK // _UNROLL, _init_chunk,
                                       (rmax0, ridx0))
        m0, i0 = [], []
        for j in range(3):
            mvec = _allmax16(rmaxs0[j])
            masked = jnp.where(rmaxs0[j] == mvec, ridxs0[j], _BIG_I32)
            m0.append(mvec)
            i0.append(_allmin16(masked))

        def _pick(it, carry):
            ms, iis, cnts = carry
            itvec = jnp.full((16,), it, jnp.int32)
            picks = []
            new_cnts = []
            for j in range(3):
                validv = ms[j] != _NEG_INF
                mask = (lanes == 0) & validv
                plsc.store_scatter(row_refs[j], [itvec], iis[j], mask=mask)
                new_cnts.append(cnts[j] + validv.astype(jnp.int32))
                ivec = iis[j]
                picks.append((plsc.load_gather(x1_v, [ivec]),
                              plsc.load_gather(y1_v, [ivec]),
                              plsc.load_gather(x2_v, [ivec]),
                              plsc.load_gather(y2_v, [ivec]),
                              plsc.load_gather(ar_v, [ivec])))
            ms2, iis2 = _fused_pass(picks)
            return ms2, iis2, new_cnts

        cnt0 = [jnp.zeros((16,), jnp.int32)] * 3
        _, _, cnts = lax.fori_loop(0, _MAX_OUT, _pick, (m0, i0, cnt0))
        for j in range(3):
            row_refs[j][pl.ds(_CNT_COL, 16)] = cnts[j]

            @pl.when(cs[j] < _C)
            def _():
                pltpu.sync_copy(row_refs[j], out_hbm.at[cs[j]])


@jax.jit
def _nms_sc(boxes_p, scores_p):
    mesh = plsc.VectorSubcoreMesh(core_axis_name="c", subcore_axis_name="s")
    f = pl.kernel(
        _nms_body,
        out_type=jax.ShapeDtypeStruct((_C, _ROW_W), jnp.int32),
        mesh=mesh,
        scratch_types=[
            pltpu.VMEM((_N_PAD,), jnp.float32),
            pltpu.VMEM((_N_PAD,), jnp.float32),
            pltpu.VMEM((_N_PAD,), jnp.float32),
            pltpu.VMEM((_N_PAD,), jnp.float32),
            pltpu.VMEM((_N_PAD,), jnp.float32),
            pltpu.VMEM((_N_PAD,), jnp.float32),
            pltpu.VMEM((_N_PAD,), jnp.float32),
            pltpu.VMEM((_N_PAD,), jnp.float32),
            pltpu.VMEM((_ROW_W,), jnp.int32),
            pltpu.VMEM((_ROW_W,), jnp.int32),
            pltpu.VMEM((_ROW_W,), jnp.int32),
        ],
        compiler_params=pltpu.CompilerParams(needs_layout_passes=False),
    )
    return f(boxes_p, scores_p)


def kernel(boxes, scores):
    B, C, N = scores.shape
    boxes_t = jnp.transpose(boxes[0])
    boxes_p = jnp.zeros((4, _N_PAD), jnp.float32).at[:, :N].set(boxes_t)
    scores_p = jnp.zeros((_NTRIP * 3, _N_PAD), jnp.float32)
    scores_p = scores_p.at[:C, :N].set(scores[0])

    rows = _nms_sc(boxes_p, scores_p)
    keep = rows[:, :_MAX_OUT]
    cnt = rows[:, _CNT_COL]

    total = B * C * _MAX_OUT
    cum = jnp.cumsum(cnt)
    offsets = jnp.concatenate([jnp.zeros((1,), cnt.dtype), cum[:-1]])
    j = jnp.arange(_MAX_OUT, dtype=cnt.dtype)
    pos = offsets[:, None] + j[None, :]
    mask = j[None, :] < cnt[:, None]
    pos = jnp.where(mask, pos, total)
    flat = jnp.zeros((total + 1,), dtype=jnp.int32)
    flat = flat.at[pos.reshape(-1)].set(keep.reshape(-1))
    p = jnp.arange(total, dtype=jnp.int32)
    c_of_p = jnp.sum((p[:, None] >= cum[None, :]).astype(jnp.int32), axis=1)
    c_col = jnp.where(p < cum[C - 1], c_of_p, 0)
    out = jnp.stack([jnp.zeros_like(p), c_col, flat[:total]], axis=-1)
    return out.astype(jnp.int64)

# --- scband reference (transcript-rebuilt; emitter-appended) ---
"""Pipeline reference for scband-non-max-suppression-1288490189238 (READ-ONLY COPY).

The authoritative reference and input builder live on the scoring server;
editing this copy changes nothing except your own understanding.
"""

import jax, jax.numpy as jnp
import numpy as np

IOU_THRESHOLD = 0.5
SCORE_THRESHOLD = 0.05
MAX_OUT = 100


def setup_inputs(seed: int = 0) -> dict:
    key = jax.random.key(seed)
    k1, k2, k3 = jax.random.split(key, 3)
    B, N, C = 1, 5000, 80
    # valid boxes in (x1, y1, x2, y2) format with x2 > x1, y2 > y1
    xy = jax.random.uniform(k1, (B, N, 2), dtype=jnp.float32) * 448.0
    wh = jax.random.uniform(k2, (B, N, 2), dtype=jnp.float32) * 56.0 + 8.0
    boxes = jnp.concatenate([xy, xy + wh], axis=-1)
    scores = jax.random.uniform(k3, (B, C, N), dtype=jnp.float32)
    return {"boxes": boxes, "scores": scores}


def _nms_per_class(boxes, scores, iou_thr, score_thr, max_out):
    # Greedy NMS identical to torchvision.ops.nms applied after score-threshold
    # filtering (as in perform_nms_per_class). Early-stops after max_out kept
    # boxes, which is equivalent because the original truncates the result to
    # max_output_boxes_per_class per class.
    s0 = jnp.where(scores > score_thr, scores, -jnp.inf)
    x1, y1, x2, y2 = boxes[:, 0], boxes[:, 1], boxes[:, 2], boxes[:, 3]
    areas = (x2 - x1) * (y2 - y1)

    def body(_, state):
        s, keep, cnt = state
        i = jnp.argmax(s)
        valid = jnp.isfinite(s[i])
        xx1 = jnp.maximum(x1[i], x1)
        yy1 = jnp.maximum(y1[i], y1)
        xx2 = jnp.minimum(x2[i], x2)
        yy2 = jnp.minimum(y2[i], y2)
        inter = jnp.clip(xx2 - xx1, 0.0) * jnp.clip(yy2 - yy1, 0.0)
        iou = inter / (areas[i] + areas - inter + 1e-12)
        s_new = jnp.where(iou > iou_thr, -jnp.inf, s)  # suppress IoU > threshold
        s_new = s_new.at[i].set(-jnp.inf)
        keep_new = keep.at[cnt].set(i.astype(keep.dtype))
        s = jnp.where(valid, s_new, s)
        keep = jnp.where(valid, keep_new, keep)
        cnt = cnt + valid.astype(cnt.dtype)
        return (s, keep, cnt)

    keep0 = jnp.zeros((max_out,), dtype=jnp.int32)
    cnt0 = jnp.zeros((), dtype=jnp.int32)
    _, keep, cnt = jax.lax.fori_loop(0, max_out, body, (s0, keep0, cnt0))
    return keep, cnt


def reference(boxes, scores) -> jnp.ndarray:
    # Faithful translation of NonMaxSuppression.forward:
    # iterate batch x class, run score-thresholded NMS, emit [batch, class, box]
    # triplets packed contiguously (row-major) into a fixed-size int64 buffer
    # of shape [B*C*max_out, 3], zero-padded -- exactly what put_ with arange does.
    B, C, N = scores.shape
    total = B * C * MAX_OUT
    boxes_bc = jnp.broadcast_to(boxes[:, None], (B, C, N, 4)).reshape(B * C, N, 4)
    scores_bc = scores.reshape(B * C, N)
    keep, cnt = jax.vmap(
        lambda bx, sc: _nms_per_class(bx, sc, IOU_THRESHOLD, SCORE_THRESHOLD, MAX_OUT)
    )(boxes_bc, scores_bc)
    offsets = jnp.concatenate(
        [jnp.zeros((1,), dtype=cnt.dtype), jnp.cumsum(cnt)[:-1]]
    )
    j = jnp.arange(MAX_OUT, dtype=cnt.dtype)
    pos = offsets[:, None] + j[None, :]
    mask = j[None, :] < cnt[:, None]
    pos = jnp.where(mask, pos, total)
    bc = jnp.arange(B * C, dtype=jnp.int32)
    b_col = jnp.broadcast_to((bc // C)[:, None], (B * C, MAX_OUT))
    c_col = jnp.broadcast_to((bc % C)[:, None], (B * C, MAX_OUT))
    trip = jnp.stack([b_col, c_col, keep], axis=-1).astype(jnp.int64)
    flat = jnp.zeros((total + 1, 3), dtype=jnp.int64)
    flat = flat.at[pos.reshape(-1)].set(trip.reshape(-1, 3))
    out = flat[:total]
    return out

if __name__ == "__main__":
    import jax
    _d = setup_inputs()
    print(jax.jit(kernel)(*tuple(_d.values())))

</pallas_src>

<mosaic_0001>
#map = affine_map<(d0, d1) -> (0, 0)>
module attributes {stable_mosaic.version = 14 : i64} {
  func.func @_nms_body(%arg0: i32, %arg1: i32, %arg2: memref<4x5136xf32, #tpu.memory_space<hbm>>, %arg3: memref<81x5136xf32, #tpu.memory_space<hbm>>, %arg4: memref<80x128xi32, #tpu.memory_space<hbm>>, %arg5: memref<5136xf32, #tpu.memory_space<vmem>>, %arg6: memref<5136xf32, #tpu.memory_space<vmem>>, %arg7: memref<5136xf32, #tpu.memory_space<vmem>>, %arg8: memref<5136xf32, #tpu.memory_space<vmem>>, %arg9: memref<5136xf32, #tpu.memory_space<vmem>>, %arg10: memref<5136xf32, #tpu.memory_space<vmem>>, %arg11: memref<5136xf32, #tpu.memory_space<vmem>>, %arg12: memref<5136xf32, #tpu.memory_space<vmem>>, %arg13: memref<128xi32, #tpu.memory_space<vmem>>, %arg14: memref<128xi32, #tpu.memory_space<vmem>>, %arg15: memref<128xi32, #tpu.memory_space<vmem>>) attributes {dimension_semantics = [#tpu.dimension_semantics<core_parallel>, #tpu.dimension_semantics<subcore_parallel>], iteration_bounds = array<i64: 2, 16>, scalar_prefetch = 0 : i64, scratch_operands = 11 : i64, tpu.core_type = #tpu.core_type<sc_vector_subcore>, window_params = [{transform_indices = #map}, {transform_indices = #map}, {transform_indices = #map}]} {
    %mul3A = arith.constant 2 : i32
    %mul3A_0 = arith.muli %arg1, %mul3A : i32
    %add3A = arith.addi %mul3A_0, %arg0 : i32
    %lt3A = arith.constant 27 : i32
    %lt3A_1 = arith.cmpi slt, %add3A, %lt3A : i32
    %convert_element_type3A = arith.extui %lt3A_1 : i1 to i32
    %cond3A = arith.constant 0 : i32
    %cond3A_2 = arith.cmpi ne, %convert_element_type3A, %cond3A : i32
    scf.if %cond3A_2 {
      %run_scoped3A = arith.constant 0 : i32
      "tpu.region"() ({
        %run_scoped3A_451 = tpu.sem_alloc : memref<!tpu.dma_semaphore, #tpu.memory_space<semaphore_mem>>
        %dma_start3A = arith.constant 0 : i32
        %dma_start3A_452 = tpu.memref_slice %arg2[%run_scoped3A, %dma_start3A] : memref<4x5136xf32, #tpu.memory_space<hbm>> -> memref<1x5136xf32, #tpu.memory_space<hbm>>
        %dma_start3A_453 = tpu.memref_squeeze %dma_start3A_452 : memref<1x5136xf32, #tpu.memory_space<hbm>> -> memref<5136xf32, #tpu.memory_space<hbm>>
        %dma_start3A_454 = arith.constant 0 : i32
        %dma_start3A_455 = tpu.memref_slice %arg2[%run_scoped3A, %dma_start3A_454] : memref<4x5136xf32, #tpu.memory_space<hbm>> -> memref<1x5136xf32, #tpu.memory_space<hbm>>
        %dma_start3A_456 = tpu.memref_squeeze %dma_start3A_455 : memref<1x5136xf32, #tpu.memory_space<hbm>> -> memref<5136xf32, #tpu.memory_space<hbm>>
        tpu.enqueue_dma source(%dma_start3A_456 : memref<5136xf32, #tpu.memory_space<hbm>>) target(%arg5 : memref<5136xf32, #tpu.memory_space<vmem>>) target_semaphore(%run_scoped3A_451 : memref<!tpu.dma_semaphore, #tpu.memory_space<semaphore_mem>>)
        %dma_wait3A = arith.constant 0 : i32
        %dma_wait3A_457 = tpu.memref_slice %arg2[%run_scoped3A, %dma_wait3A] : memref<4x5136xf32, #tpu.memory_space<hbm>> -> memref<1x5136xf32, #tpu.memory_space<hbm>>
        %dma_wait3A_458 = tpu.memref_squeeze %dma_wait3A_457 : memref<1x5136xf32, #tpu.memory_space<hbm>> -> memref<5136xf32, #tpu.memory_space<hbm>>
        %dma_wait3A_459 = arith.constant 0 : i32
        %dma_wait3A_460 = tpu.memref_slice %arg2[%run_scoped3A, %dma_wait3A_459] : memref<4x5136xf32, #tpu.memory_space<hbm>> -> memref<1x5136xf32, #tpu.memory_space<hbm>>
        %dma_wait3A_461 = tpu.memref_squeeze %dma_wait3A_460 : memref<1x5136xf32, #tpu.memory_space<hbm>> -> memref<5136xf32, #tpu.memory_space<hbm>>
        tpu.wait_dma2 semaphore(%run_scoped3A_451 : memref<!tpu.dma_semaphore, #tpu.memory_space<semaphore_mem>>) src(%dma_wait3A_461 : memref<5136xf32, #tpu.memory_space<hbm>>) dst(%arg5 : memref<5136xf32, #tpu.memory_space<vmem>>)
        tpu.yield
      }) : () -> ()
      %run_scoped3A_3 = arith.constant 1 : i32
      "tpu.region"() ({
        %run_scoped3A_451 = tpu.sem_alloc : memref<!tpu.dma_semaphore, #tpu.memory_space<semaphore_mem>>
        %dma_start3A = arith.constant 0 : i32
        %dma_start3A_452 = tpu.memref_slice %arg2[%run_scoped3A_3, %dma_start3A] : memref<4x5136xf32, #tpu.memory_space<hbm>> -> memref<1x5136xf32, #tpu.memory_space<hbm>>
        %dma_start3A_453 = tpu.memref_squeeze %dma_start3A_452 : memref<1x5136xf32, #tpu.memory_space<hbm>> -> memref<5136xf32, #tpu.memory_space<hbm>>
        %dma_start3A_454 = arith.constant 0 : i32
        %dma_start3A_455 = tpu.memref_slice %arg2[%run_scoped3A_3, %dma_start3A_454] : memref<4x5136xf32, #tpu.memory_space<hbm>> -> memref<1x5136xf32, #tpu.memory_space<hbm>>
        %dma_start3A_456 = tpu.memref_squeeze %dma_start3A_455 : memref<1x5136xf32, #tpu.memory_space<hbm>> -> memref<5136xf32, #tpu.memory_space<hbm>>
        tpu.enqueue_dma source(%dma_start3A_456 : memref<5136xf32, #tpu.memory_space<hbm>>) target(%arg6 : memref<5136xf32, #tpu.memory_space<vmem>>) target_semaphore(%run_scoped3A_451 : memref<!tpu.dma_semaphore, #tpu.memory_space<semaphore_mem>>)
        %dma_wait3A = arith.constant 0 : i32
        %dma_wait3A_457 = tpu.memref_slice %arg2[%run_scoped3A_3, %dma_wait3A] : memref<4x5136xf32, #tpu.memory_space<hbm>> -> memref<1x5136xf32, #tpu.memory_space<hbm>>
        %dma_wait3A_458 = tpu.memref_squeeze %dma_wait3A_457 : memref<1x5136xf32, #tpu.memory_space<hbm>> -> memref<5136xf32, #tpu.memory_space<hbm>>
        %dma_wait3A_459 = arith.constant 0 : i32
        %dma_wait3A_460 = tpu.memref_slice %arg2[%run_scoped3A_3, %dma_wait3A_459] : memref<4x5136xf32, #tpu.memory_space<hbm>> -> memref<1x5136xf32, #tpu.memory_space<hbm>>
        %dma_wait3A_461 = tpu.memref_squeeze %dma_wait3A_460 : memref<1x5136xf32, #tpu.memory_space<hbm>> -> memref<5136xf32, #tpu.memory_space<hbm>>
        tpu.wait_dma2 semaphore(%run_scoped3A_451 : memref<!tpu.dma_semaphore, #tpu.memory_space<semaphore_mem>>) src(%dma_wait3A_461 : memref<5136xf32, #tpu.memory_space<hbm>>) dst(%arg6 : memref<5136xf32, #tpu.memory_space<vmem>>)
        tpu.yield
      }) : () -> ()
      %run_scoped3A_4 = arith.constant 2 : i32
      "tpu.region"() ({
        %run_scoped3A_451 = tpu.sem_alloc : memref<!tpu.dma_semaphore, #tpu.memory_space<semaphore_mem>>
        %dma_start3A = arith.constant 0 : i32
        %dma_start3A_452 = tpu.memref_slice %arg2[%run_scoped3A_4, %dma_start3A] : memref<4x5136xf32, #tpu.memory_space<hbm>> -> memref<1x5136xf32, #tpu.memory_space<hbm>>
        %dma_start3A_453 = tpu.memref_squeeze %dma_start3A_452 : memref<1x5136xf32, #tpu.memory_space<hbm>> -> memref<5136xf32, #tpu.memory_space<hbm>>
        %dma_start3A_454 = arith.constant 0 : i32
        %dma_start3A_455 = tpu.memref_slice %arg2[%run_scoped3A_4, %dma_start3A_454] : memref<4x5136xf32, #tpu.memory_space<hbm>> -> memref<1x5136xf32, #tpu.memory_space<hbm>>
        %dma_start3A_456 = tpu.memref_squeeze %dma_start3A_455 : memref<1x5136xf32, #tpu.memory_space<hbm>> -> memref<5136xf32, #tpu.memory_space<hbm>>
        tpu.enqueue_dma source(%dma_start3A_456 : memref<5136xf32, #tpu.memory_space<hbm>>) target(%arg7 : memref<5136xf32, #tpu.memory_space<vmem>>) target_semaphore(%run_scoped3A_451 : memref<!tpu.dma_semaphore, #tpu.memory_space<semaphore_mem>>)
        %dma_wait3A = arith.constant 0 : i32
        %dma_wait3A_457 = tpu.memref_slice %arg2[%run_scoped3A_4, %dma_wait3A] : memref<4x5136xf32, #tpu.memory_space<hbm>> -> memref<1x5136xf32, #tpu.memory_space<hbm>>
        %dma_wait3A_458 = tpu.memref_squeeze %dma_wait3A_457 : memref<1x5136xf32, #tpu.memory_space<hbm>> -> memref<5136xf32, #tpu.memory_space<hbm>>
        %dma_wait3A_459 = arith.constant 0 : i32
        %dma_wait3A_460 = tpu.memref_slice %arg2[%run_scoped3A_4, %dma_wait3A_459] : memref<4x5136xf32, #tpu.memory_space<hbm>> -> memref<1x5136xf32, #tpu.memory_space<hbm>>
        %dma_wait3A_461 = tpu.memref_squeeze %dma_wait3A_460 : memref<1x5136xf32, #tpu.memory_space<hbm>> -> memref<5136xf32, #tpu.memory_space<hbm>>
        tpu.wait_dma2 semaphore(%run_scoped3A_451 : memref<!tpu.dma_semaphore, #tpu.memory_space<semaphore_mem>>) src(%dma_wait3A_461 : memref<5136xf32, #tpu.memory_space<hbm>>) dst(%arg7 : memref<5136xf32, #tpu.memory_space<vmem>>)
        tpu.yield
      }) : () -> ()
      %run_scoped3A_5 = arith.constant 3 : i32
      "tpu.region"() ({
        %run_scoped3A_451 = tpu.sem_alloc : memref<!tpu.dma_semaphore, #tpu.memory_space<semaphore_mem>>
        %dma_start3A = arith.constant 0 : i32
        %dma_start3A_452 = tpu.memref_slice %arg2[%run_scoped3A_5, %dma_start3A] : memref<4x5136xf32, #tpu.memory_space<hbm>> -> memref<1x5136xf32, #tpu.memory_space<hbm>>
        %dma_start3A_453 = tpu.memref_squeeze %dma_start3A_452 : memref<1x5136xf32, #tpu.memory_space<hbm>> -> memref<5136xf32, #tpu.memory_space<hbm>>
        %dma_start3A_454 = arith.constant 0 : i32
        %dma_start3A_455 = tpu.memref_slice %arg2[%run_scoped3A_5, %dma_start3A_454] : memref<4x5136xf32, #tpu.memory_space<hbm>> -> memref<1x5136xf32, #tpu.memory_space<hbm>>
        %dma_start3A_456 = tpu.memref_squeeze %dma_start3A_455 : memref<1x5136xf32, #tpu.memory_space<hbm>> -> memref<5136xf32, #tpu.memory_space<hbm>>
        tpu.enqueue_dma source(%dma_start3A_456 : memref<5136xf32, #tpu.memory_space<hbm>>) target(%arg8 : memref<5136xf32, #tpu.memory_space<vmem>>) target_semaphore(%run_scoped3A_451 : memref<!tpu.dma_semaphore, #tpu.memory_space<semaphore_mem>>)
        %dma_wait3A = arith.constant 0 : i32
        %dma_wait3A_457 = tpu.memref_slice %arg2[%run_scoped3A_5, %dma_wait3A] : memref<4x5136xf32, #tpu.memory_space<hbm>> -> memref<1x5136xf32, #tpu.memory_space<hbm>>
        %dma_wait3A_458 = tpu.memref_squeeze %dma_wait3A_457 : memref<1x5136xf32, #tpu.memory_space<hbm>> -> memref<5136xf32, #tpu.memory_space<hbm>>
        %dma_wait3A_459 = arith.constant 0 : i32
        %dma_wait3A_460 = tpu.memref_slice %arg2[%run_scoped3A_5, %dma_wait3A_459] : memref<4x5136xf32, #tpu.memory_space<hbm>> -> memref<1x5136xf32, #tpu.memory_space<hbm>>
        %dma_wait3A_461 = tpu.memref_squeeze %dma_wait3A_460 : memref<1x5136xf32, #tpu.memory_space<hbm>> -> memref<5136xf32, #tpu.memory_space<hbm>>
        tpu.wait_dma2 semaphore(%run_scoped3A_451 : memref<!tpu.dma_semaphore, #tpu.memory_space<semaphore_mem>>) src(%dma_wait3A_461 : memref<5136xf32, #tpu.memory_space<hbm>>) dst(%arg8 : memref<5136xf32, #tpu.memory_space<vmem>>)
        tpu.yield
      }) : () -> ()
      %mul3A_6 = arith.constant 3 : i32
      %mul3A_7 = arith.muli %add3A, %mul3A_6 : i32
      %add3A_8 = arith.constant 0 : i32
      %add3A_9 = arith.addi %mul3A_7, %add3A_8 : i32
      %mul3A_10 = arith.constant 3 : i32
      %mul3A_11 = arith.muli %add3A, %mul3A_10 : i32
      %add3A_12 = arith.constant 1 : i32
      %add3A_13 = arith.addi %mul3A_11, %add3A_12 : i32
      %mul3A_14 = arith.constant 3 : i32
      %mul3A_15 = arith.muli %add3A, %mul3A_14 : i32
      %add3A_16 = arith.constant 2 : i32
      %add3A_17 = arith.addi %mul3A_15, %add3A_16 : i32
      "tpu.region"() ({
        %run_scoped3A_451 = tpu.sem_alloc : memref<!tpu.dma_semaphore, #tpu.memory_space<semaphore_mem>>
        %dma_start3A = arith.constant 0 : i32
        %dma_start3A_452 = tpu.memref_slice %arg3[%add3A_9, %dma_start3A] : memref<81x5136xf32, #tpu.memory_space<hbm>> -> memref<1x5136xf32, #tpu.memory_space<hbm>>
        %dma_start3A_453 = tpu.memref_squeeze %dma_start3A_452 : memref<1x5136xf32, #tpu.memory_space<hbm>> -> memref<5136xf32, #tpu.memory_space<hbm>>
        %dma_start3A_454 = arith.constant 0 : i32
        %dma_start3A_455 = tpu.memref_slice %arg3[%add3A_9, %dma_start3A_454] : memref<81x5136xf32, #tpu.memory_space<hbm>> -> memref<1x5136xf32, #tpu.memory_space<hbm>>
        %dma_start3A_456 = tpu.memref_squeeze %dma_start3A_455 : memref<1x5136xf32, #tpu.memory_space<hbm>> -> memref<5136xf32, #tpu.memory_space<hbm>>
        tpu.enqueue_dma source(%dma_start3A_456 : memref<5136xf32, #tpu.memory_space<hbm>>) target(%arg10 : memref<5136xf32, #tpu.memory_space<vmem>>) target_semaphore(%run_scoped3A_451 : memref<!tpu.dma_semaphore, #tpu.memory_space<semaphore_mem>>)
        %dma_wait3A = arith.constant 0 : i32
        %dma_wait3A_457 = tpu.memref_slice %arg3[%add3A_9, %dma_wait3A] : memref<81x5136xf32, #tpu.memory_space<hbm>> -> memref<1x5136xf32, #tpu.memory_space<hbm>>
        %dma_wait3A_458 = tpu.memref_squeeze %dma_wait3A_457 : memref<1x5136xf32, #tpu.memory_space<hbm>> -> memref<5136xf32, #tpu.memory_space<hbm>>
        %dma_wait3A_459 = arith.constant 0 : i32
        %dma_wait3A_460 = tpu.memref_slice %arg3[%add3A_9, %dma_wait3A_459] : memref<81x5136xf32, #tpu.memory_space<hbm>> -> memref<1x5136xf32, #tpu.memory_space<hbm>>
        %dma_wait3A_461 = tpu.memref_squeeze %dma_wait3A_460 : memref<1x5136xf32, #tpu.memory_space<hbm>> -> memref<5136xf32, #tpu.memory_space<hbm>>
        tpu.wait_dma2 semaphore(%run_scoped3A_451 : memref<!tpu.dma_semaphore, #tpu.memory_space<semaphore_mem>>) src(%dma_wait3A_461 : memref<5136xf32, #tpu.memory_space<hbm>>) dst(%arg10 : memref<5136xf32, #tpu.memory_space<vmem>>)
        tpu.yield
      }) : () -> ()
      "tpu.region"() ({
        %run_scoped3A_451 = tpu.sem_alloc : memref<!tpu.dma_semaphore, #tpu.memory_space<semaphore_mem>>
        %dma_start3A = arith.constant 0 : i32
        %dma_start3A_452 = tpu.memref_slice %arg3[%add3A_13, %dma_start3A] : memref<81x5136xf32, #tpu.memory_space<hbm>> -> memref<1x5136xf32, #tpu.memory_space<hbm>>
        %dma_start3A_453 = tpu.memref_squeeze %dma_start3A_452 : memref<1x5136xf32, #tpu.memory_space<hbm>> -> memref<5136xf32, #tpu.memory_space<hbm>>
        %dma_start3A_454 = arith.constant 0 : i32
        %dma_start3A_455 = tpu.memref_slice %arg3[%add3A_13, %dma_start3A_454] : memref<81x5136xf32, #tpu.memory_space<hbm>> -> memref<1x5136xf32, #tpu.memory_space<hbm>>
        %dma_start3A_456 = tpu.memref_squeeze %dma_start3A_455 : memref<1x5136xf32, #tpu.memory_space<hbm>> -> memref<5136xf32, #tpu.memory_space<hbm>>
        tpu.enqueue_dma source(%dma_start3A_456 : memref<5136xf32, #tpu.memory_space<hbm>>) target(%arg11 : memref<5136xf32, #tpu.memory_space<vmem>>) target_semaphore(%run_scoped3A_451 : memref<!tpu.dma_semaphore, #tpu.memory_space<semaphore_mem>>)
        %dma_wait3A = arith.constant 0 : i32
        %dma_wait3A_457 = tpu.memref_slice %arg3[%add3A_13, %dma_wait3A] : memref<81x5136xf32, #tpu.memory_space<hbm>> -> memref<1x5136xf32, #tpu.memory_space<hbm>>
        %dma_wait3A_458 = tpu.memref_squeeze %dma_wait3A_457 : memref<1x5136xf32, #tpu.memory_space<hbm>> -> memref<5136xf32, #tpu.memory_space<hbm>>
        %dma_wait3A_459 = arith.constant 0 : i32
        %dma_wait3A_460 = tpu.memref_slice %arg3[%add3A_13, %dma_wait3A_459] : memref<81x5136xf32, #tpu.memory_space<hbm>> -> memref<1x5136xf32, #tpu.memory_space<hbm>>
        %dma_wait3A_461 = tpu.memref_squeeze %dma_wait3A_460 : memref<1x5136xf32, #tpu.memory_space<hbm>> -> memref<5136xf32, #tpu.memory_space<hbm>>
        tpu.wait_dma2 semaphore(%run_scoped3A_451 : memref<!tpu.dma_semaphore, #tpu.memory_space<semaphore_mem>>) src(%dma_wait3A_461 : memref<5136xf32, #tpu.memory_space<hbm>>) dst(%arg11 : memref<5136xf32, #tpu.memory_space<vmem>>)
        tpu.yield
      }) : () -> ()
      "tpu.region"() ({
        %run_scoped3A_451 = tpu.sem_alloc : memref<!tpu.dma_semaphore, #tpu.memory_space<semaphore_mem>>
        %dma_start3A = arith.constant 0 : i32
        %dma_start3A_452 = tpu.memref_slice %arg3[%add3A_17, %dma_start3A] : memref<81x5136xf32, #tpu.memory_space<hbm>> -> memref<1x5136xf32, #tpu.memory_space<hbm>>
        %dma_start3A_453 = tpu.memref_squeeze %dma_start3A_452 : memref<1x5136xf32, #tpu.memory_space<hbm>> -> memref<5136xf32, #tpu.memory_space<hbm>>
        %dma_start3A_454 = arith.constant 0 : i32
        %dma_start3A_455 = tpu.memref_slice %arg3[%add3A_17, %dma_start3A_454] : memref<81x5136xf32, #tpu.memory_space<hbm>> -> memref<1x5136xf32, #tpu.memory_space<hbm>>
        %dma_start3A_456 = tpu.memref_squeeze %dma_start3A_455 : memref<1x5136xf32, #tpu.memory_space<hbm>> -> memref<5136xf32, #tpu.memory_space<hbm>>
        tpu.enqueue_dma source(%dma_start3A_456 : memref<5136xf32, #tpu.memory_space<hbm>>) target(%arg12 : memref<5136xf32, #tpu.memory_space<vmem>>) target_semaphore(%run_scoped3A_451 : memref<!tpu.dma_semaphore, #tpu.memory_space<semaphore_mem>>)
        %dma_wait3A = arith.constant 0 : i32
        %dma_wait3A_457 = tpu.memref_slice %arg3[%add3A_17, %dma_wait3A] : memref<81x5136xf32, #tpu.memory_space<hbm>> -> memref<1x5136xf32, #tpu.memory_space<hbm>>
        %dma_wait3A_458 = tpu.memref_squeeze %dma_wait3A_457 : memref<1x5136xf32, #tpu.memory_space<hbm>> -> memref<5136xf32, #tpu.memory_space<hbm>>
        %dma_wait3A_459 = arith.constant 0 : i32
        %dma_wait3A_460 = tpu.memref_slice %arg3[%add3A_17, %dma_wait3A_459] : memref<81x5136xf32, #tpu.memory_space<hbm>> -> memref<1x5136xf32, #tpu.memory_space<hbm>>
        %dma_wait3A_461 = tpu.memref_squeeze %dma_wait3A_460 : memref<1x5136xf32, #tpu.memory_space<hbm>> -> memref<5136xf32, #tpu.memory_space<hbm>>
        tpu.wait_dma2 semaphore(%run_scoped3A_451 : memref<!tpu.dma_semaphore, #tpu.memory_space<semaphore_mem>>) src(%dma_wait3A_461 : memref<5136xf32, #tpu.memory_space<hbm>>) dst(%arg12 : memref<5136xf32, #tpu.memory_space<vmem>>)
        tpu.yield
      }) : () -> ()
      %scan3A = arith.constant 0 : i32
      %scan3A_18 = arith.constant 0 : i32
      %scan3A_19 = arith.constant 107 : i32
      %scan3A_20 = arith.addi %scan3A_18, %scan3A_19 : i32
      %scan3A_21 = arith.constant 1 : i32
      scf.for %scan3A_451 = %scan3A_18 to %scan3A_20 step %scan3A_21  : i32 {
        %mul3A_452 = arith.constant 48 : i32
        %mul3A_453 = arith.muli %scan3A_451, %mul3A_452 : i32
        %add3A_454 = arith.constant 0 : i32
        %add3A_455 = arith.addi %mul3A_453, %add3A_454 : i32
        %get3A = arith.index_cast %add3A_455 : i32 to index
        %get3A_456 = tpu.vector_load %arg7[%get3A] {strides = array<i32>} : memref<5136xf32, #tpu.memory_space<vmem>>, vector<16xf32>,
        %get3A_457 = arith.index_cast %add3A_455 : i32 to index
        %get3A_458 = tpu.vector_load %arg5[%get3A_457] {strides = array<i32>} : memref<5136xf32, #tpu.memory_space<vmem>>, vector<16xf32>,
        %sub3A = arith.subf %get3A_456, %get3A_458 : vector<16xf32>
        %get3A_459 = arith.index_cast %add3A_455 : i32 to index
        %get3A_460 = tpu.vector_load %arg8[%get3A_459] {strides = array<i32>} : memref<5136xf32, #tpu.memory_space<vmem>>, vector<16xf32>,
        %get3A_461 = arith.index_cast %add3A_455 : i32 to index
        %get3A_462 = tpu.vector_load %arg6[%get3A_461] {strides = array<i32>} : memref<5136xf32, #tpu.memory_space<vmem>>, vector<16xf32>,
        %sub3A_463 = arith.subf %get3A_460, %get3A_462 : vector<16xf32>
        %mul3A_464 = arith.mulf %sub3A, %sub3A_463 : vector<16xf32>
        %swap3A_465 = arith.index_cast %add3A_455 : i32 to index
        %swap3A_466 = tpu.vector_load %arg9[%swap3A_465] {strides = array<i32>} : memref<5136xf32, #tpu.memory_space<vmem>>, vector<16xf32>,
        tpu.vector_store %arg9[%swap3A_465], %mul3A_464 {strides = array<i32>} : memref<5136xf32, #tpu.memory_space<vmem>>, vector<16xf32>,
        %mul3A_467 = arith.constant 48 : i32
        %mul3A_468 = arith.muli %scan3A_451, %mul3A_467 : i32
        %add3A_469 = arith.constant 16 : i32
        %add3A_470 = arith.addi %mul3A_468, %add3A_469 : i32
        %get3A_471 = arith.index_cast %add3A_470 : i32 to index
        %get3A_472 = tpu.vector_load %arg7[%get3A_471] {strides = array<i32>} : memref<5136xf32, #tpu.memory_space<vmem>>, vector<16xf32>,
        %get3A_473 = arith.index_cast %add3A_470 : i32 to index
        %get3A_474 = tpu.vector_load %arg5[%get3A_473] {strides = array<i32>} : memref<5136xf32, #tpu.memory_space<vmem>>, vector<16xf32>,
        %sub3A_475 = arith.subf %get3A_472, %get3A_474 : vector<16xf32>
        %get3A_476 = arith.index_cast %add3A_470 : i32 to index
        %get3A_477 = tpu.vector_load %arg8[%get3A_476] {strides = array<i32>} : memref<5136xf32, #tpu.memory_space<vmem>>, vector<16xf32>,
        %get3A_478 = arith.index_cast %add3A_470 : i32 to index
        %get3A_479 = tpu.vector_load %arg6[%get3A_478] {strides = array<i32>} : memref<5136xf32, #tpu.memory_space<vmem>>, vector<16xf32>,
        %sub3A_480 = arith.subf %get3A_477, %get3A_479 : vector<16xf32>
        %mul3A_481 = arith.mulf %sub3A_475, %sub3A_480 : vector<16xf32>
        %swap3A_482 = arith.index_cast %add3A_470 : i32 to index
        %swap3A_483 = tpu.vector_load %arg9[%swap3A_482] {strides = array<i32>} : memref<5136xf32, #tpu.memory_space<vmem>>, vector<16xf32>,
        tpu.vector_store %arg9[%swap3A_482], %mul3A_481 {strides = array<i32>} : memref<5136xf32, #tpu.memory_space<vmem>>, vector<16xf32>,
        %mul3A_484 = arith.constant 48 : i32
        %mul3A_485 = arith.muli %scan3A_451, %mul3A_484 : i32
        %add3A_486 = arith.constant 32 : i32
        %add3A_487 = arith.addi %mul3A_485, %add3A_486 : i32
        %get3A_488 = arith.index_cast %add3A_487 : i32 to index
        %get3A_489 = tpu.vector_load %arg7[%get3A_488] {strides = array<i32>} : memref<5136xf32, #tpu.memory_space<vmem>>, vector<16xf32>,
        %get3A_490 = arith.index_cast %add3A_487 : i32 to index
        %get3A_491 = tpu.vector_load %arg5[%get3A_490] {strides = array<i32>} : memref<5136xf32, #tpu.memory_space<vmem>>, vector<16xf32>,
        %sub3A_492 = arith.subf %get3A_489, %get3A_491 : vector<16xf32>
        %get3A_493 = arith.index_cast %add3A_487 : i32 to index
        %get3A_494 = tpu.vector_load %arg8[%get3A_493] {strides = array<i32>} : memref<5136xf32, #tpu.memory_space<vmem>>, vector<16xf32>,
        %get3A_495 = arith.index_cast %add3A_487 : i32 to index
        %get3A_496 = tpu.vector_load %arg6[%get3A_495] {strides = array<i32>} : memref<5136xf32, #tpu.memory_space<vmem>>, vector<16xf32>,
        %sub3A_497 = arith.subf %get3A_494, %get3A_496 : vector<16xf32>
        %mul3A_498 = arith.mulf %sub3A_492, %sub3A_497 : vector<16xf32>
        %swap3A_499 = arith.index_cast %add3A_487 : i32 to index
        %swap3A_500 = tpu.vector_load %arg9[%swap3A_499] {strides = array<i32>} : memref<5136xf32, #tpu.memory_space<vmem>>, vector<16xf32>,
        tpu.vector_store %arg9[%swap3A_499], %mul3A_498 {strides = array<i32>} : memref<5136xf32, #tpu.memory_space<vmem>>, vector<16xf32>,
      }
      %scan3A_22 = arith.constant 107 : i32
      %broadcast_in_dim3A = arith.constant 0 : i32
      %broadcast_in_dim3A_23 = vector.broadcast %broadcast_in_dim3A : i32 to vector<16xi32>
      %swap3A = arith.constant 0 : index
      %swap3A_24 = tpu.vector_load %arg13[%swap3A] {strides = array<i32>} : memref<128xi32, #tpu.memory_space<vmem>>, vector<16xi32>,
      tpu.vector_store %arg13[%swap3A], %broadcast_in_dim3A_23 {strides = array<i32>} : memref<128xi32, #tpu.memory_space<vmem>>, vector<16xi32>,
      %swap3A_25 = arith.constant 16 : index
      %swap3A_26 = tpu.vector_load %arg13[%swap3A_25] {strides = array<i32>} : memref<128xi32, #tpu.memory_space<vmem>>, vector<16xi32>,
      tpu.vector_store %arg13[%swap3A_25], %broadcast_in_dim3A_23 {strides = array<i32>} : memref<128xi32, #tpu.memory_space<vmem>>, vector<16xi32>,
      %swap3A_27 = arith.constant 32 : index
      %swap3A_28 = tpu.vector_load %arg13[%swap3A_27] {strides = array<i32>} : memref<128xi32, #tpu.memory_space<vmem>>, vector<16xi32>,
      tpu.vector_store %arg13[%swap3A_27], %broadcast_in_dim3A_23 {strides = array<i32>} : memref<128xi32, #tpu.memory_space<vmem>>, vector<16xi32>,
      %swap3A_29 = arith.constant 48 : index
      %swap3A_30 = tpu.vector_load %arg13[%swap3A_29] {strides = array<i32>} : memref<128xi32, #tpu.memory_space<vmem>>, vector<16xi32>,
      tpu.vector_store %arg13[%swap3A_29], %broadcast_in_dim3A_23 {strides = array<i32>} : memref<128xi32, #tpu.memory_space<vmem>>, vector<16xi32>,
      %swap3A_31 = arith.constant 64 : index
      %swap3A_32 = tpu.vector_load %arg13[%swap3A_31] {strides = array<i32>} : memref<128xi32, #tpu.memory_space<vmem>>, vector<16xi32>,
      tpu.vector_store %arg13[%swap3A_31], %broadcast_in_dim3A_23 {strides = array<i32>} : memref<128xi32, #tpu.memory_space<vmem>>, vector<16xi32>,
      %swap3A_33 = arith.constant 80 : index
      %swap3A_34 = tpu.vector_load %arg13[%swap3A_33] {strides = array<i32>} : memref<128xi32, #tpu.memory_space<vmem>>, vector<16xi32>,
      tpu.vector_store %arg13[%swap3A_33], %broadcast_in_dim3A_23 {strides = array<i32>} : memref<128xi32, #tpu.memory_space<vmem>>, vector<16xi32>,
      %swap3A_35 = arith.constant 96 : index
      %swap3A_36 = tpu.vector_load %arg13[%swap3A_35] {strides = array<i32>} : memref<128xi32, #tpu.memory_space<vmem>>, vector<16xi32>,
      tpu.vector_store %arg13[%swap3A_35], %broadcast_in_dim3A_23 {strides = array<i32>} : memref<128xi32, #tpu.memory_space<vmem>>, vector<16xi32>,
      %swap3A_37 = arith.constant 112 : index
      %swap3A_38 = tpu.vector_load %arg13[%swap3A_37] {strides = array<i32>} : memref<128xi32, #tpu.memory_space<vmem>>, vector<16xi32>,
      tpu.vector_store %arg13[%swap3A_37], %broadcast_in_dim3A_23 {strides = array<i32>} : memref<128xi32, #tpu.memory_space<vmem>>, vector<16xi32>,
      %swap3A_39 = arith.constant 0 : index
      %swap3A_40 = tpu.vector_load %arg14[%swap3A_39] {strides = array<i32>} : memref<128xi32, #tpu.memory_space<vmem>>, vector<16xi32>,
      tpu.vector_store %arg14[%swap3A_39], %broadcast_in_dim3A_23 {strides = array<i32>} : memref<128xi32, #tpu.memory_space<vmem>>, vector<16xi32>,
      %swap3A_41 = arith.constant 16 : index
      %swap3A_42 = tpu.vector_load %arg14[%swap3A_41] {strides = array<i32>} : memref<128xi32, #tpu.memory_space<vmem>>, vector<16xi32>,
      tpu.vector_store %arg14[%swap3A_41], %broadcast_in_dim3A_23 {strides = array<i32>} : memref<128xi32, #tpu.memory_space<vmem>>, vector<16xi32>,
      %swap3A_43 = arith.constant 32 : index
      %swap3A_44 = tpu.vector_load %arg14[%swap3A_43] {strides = array<i32>} : memref<128xi32, #tpu.memory_space<vmem>>, vector<16xi32>,
      tpu.vector_store %arg14[%swap3A_43], %broadcast_in_dim3A_23 {strides = array<i32>} : memref<128xi32, #tpu.memory_space<vmem>>, vector<16xi32>,
      %swap3A_45 = arith.constant 48 : index
      %swap3A_46 = tpu.vector_load %arg14[%swap3A_45] {strides = array<i32>} : memref<128xi32, #tpu.memory_space<vmem>>, vector<16xi32>,
      tpu.vector_store %arg14[%swap3A_45], %broadcast_in_dim3A_23 {strides = array<i32>} : memref<128xi32, #tpu.memory_space<vmem>>, vector<16xi32>,
      %swap3A_47 = arith.constant 64 : index
      %swap3A_48 = tpu.vector_load %arg14[%swap3A_47] {strides = array<i32>} : memref<128xi32, #tpu.memory_space<vmem>>, vector<16xi32>,
      tpu.vector_store %arg14[%swap3A_47], %broadcast_in_dim3A_23 {strides = array<i32>} : memref<128xi32, #tpu.memory_space<vmem>>, vector<16xi32>,
      %swap3A_49 = arith.constant 80 : index
      %swap3A_50 = tpu.vector_load %arg14[%swap3A_49] {strides = array<i32>} : memref<128xi32, #tpu.memory_space<vmem>>, vector<16xi32>,
      tpu.vector_store %arg14[%swap3A_49], %broadcast_in_dim3A_23 {strides = array<i32>} : memref<128xi32, #tpu.memory_space<vmem>>, vector<16xi32>,
      %swap3A_51 = arith.constant 96 : index
      %swap3A_52 = tpu.vector_load %arg14[%swap3A_51] {strides = array<i32>} : memref<128xi32, #tpu.memory_space<vmem>>, vector<16xi32>,
      tpu.vector_store %arg14[%swap3A_51], %broadcast_in_dim3A_23 {strides = array<i32>} : memref<128xi32, #tpu.memory_space<vmem>>, vector<16xi32>,
      %swap3A_53 = arith.constant 112 : index
      %swap3A_54 = tpu.vector_load %arg14[%swap3A_53] {strides = array<i32>} : memref<128xi32, #tpu.memory_space<vmem>>, vector<16xi32>,
      tpu.vector_store %arg14[%swap3A_53], %broadcast_in_dim3A_23 {strides = array<i32>} : memref<128xi32, #tpu.memory_space<vmem>>, vector<16xi32>,
      %swap3A_55 = arith.constant 0 : index
      %swap3A_56 = tpu.vector_load %arg15[%swap3A_55] {strides = array<i32>} : memref<128xi32, #tpu.memory_space<vmem>>, vector<16xi32>,
      tpu.vector_store %arg15[%swap3A_55], %broadcast_in_dim3A_23 {strides = array<i32>} : memref<128xi32, #tpu.memory_space<vmem>>, vector<16xi32>,
      %swap3A_57 = arith.constant 16 : index
      %swap3A_58 = tpu.vector_load %arg15[%swap3A_57] {strides = array<i32>} : memref<128xi32, #tpu.memory_space<vmem>>, vector<16xi32>,
      tpu.vector_store %arg15[%swap3A_57], %broadcast_in_dim3A_23 {strides = array<i32>} : memref<128xi32, #tpu.memory_space<vmem>>, vector<16xi32>,
      %swap3A_59 = arith.constant 32 : index
      %swap3A_60 = tpu.vector_load %arg15[%swap3A_59] {strides = array<i32>} : memref<128xi32, #tpu.memory_space<vmem>>, vector<16xi32>,
      tpu.vector_store %arg15[%swap3A_59], %broadcast_in_dim3A_23 {strides = array<i32>} : memref<128xi32, #tpu.memory_space<vmem>>, vector<16xi32>,
      %swap3A_61 = arith.constant 48 : index
      %swap3A_62 = tpu.vector_load %arg15[%swap3A_61] {strides = array<i32>} : memref<128xi32, #tpu.memory_space<vmem>>, vector<16xi32>,
      tpu.vector_store %arg15[%swap3A_61], %broadcast_in_dim3A_23 {strides = array<i32>} : memref<128xi32, #tpu.memory_space<vmem>>, vector<16xi32>,
      %swap3A_63 = arith.constant 64 : index
      %swap3A_64 = tpu.vector_load %arg15[%swap3A_63] {strides = array<i32>} : memref<128xi32, #tpu.memory_space<vmem>>, vector<16xi32>,
      tpu.vector_store %arg15[%swap3A_63], %broadcast_in_dim3A_23 {strides = array<i32>} : memref<128xi32, #tpu.memory_space<vmem>>, vector<16xi32>,
      %swap3A_65 = arith.constant 80 : index
      %swap3A_66 = tpu.vector_load %arg15[%swap3A_65] {strides = array<i32>} : memref<128xi32, #tpu.memory_space<vmem>>, vector<16xi32>,
      tpu.vector_store %arg15[%swap3A_65], %broadcast_in_dim3A_23 {strides = array<i32>} : memref<128xi32, #tpu.memory_space<vmem>>, vector<16xi32>,
      %swap3A_67 = arith.constant 96 : index
      %swap3A_68 = tpu.vector_load %arg15[%swap3A_67] {strides = array<i32>} : memref<128xi32, #tpu.memory_space<vmem>>, vector<16xi32>,
      tpu.vector_store %arg15[%swap3A_67], %broadcast_in_dim3A_23 {strides = array<i32>} : memref<128xi32, #tpu.memory_space<vmem>>, vector<16xi32>,
      %swap3A_69 = arith.constant 112 : index
      %swap3A_70 = tpu.vector_load %arg15[%swap3A_69] {strides = array<i32>} : memref<128xi32, #tpu.memory_space<vmem>>, vector<16xi32>,
      tpu.vector_store %arg15[%swap3A_69], %broadcast_in_dim3A_23 {strides = array<i32>} : memref<128xi32, #tpu.memory_space<vmem>>, vector<16xi32>,
      %iota3A = tpu.iota {dimensions = array<i32: 0>} : vector<16xi32>
      %broadcast_in_dim3A_71 = arith.constant 0xFF800000 : f32
      %broadcast_in_dim3A_72 = vector.broadcast %broadcast_in_dim3A_71 : f32 to vector<16xf32>
      %broadcast_in_dim3A_73 = arith.constant 0 : i32
      %broadcast_in_dim3A_74 = vector.broadcast %broadcast_in_dim3A_73 : i32 to vector<16xi32>
      %scan3A_75 = arith.constant 0 : i32
      %scan3A_76 = arith.constant 107 : i32
      %scan3A_77 = arith.addi %scan3A_75, %scan3A_76 : i32
      %scan3A_78 = arith.constant 1 : i32
      %scan3A_79:6 = scf.for %scan3A_451 = %scan3A_75 to %scan3A_77 step %scan3A_78 iter_args(%scan3A_452 = %broadcast_in_dim3A_72, %scan3A_453 = %broadcast_in_dim3A_72, %scan3A_454 = %broadcast_in_dim3A_72, %scan3A_455 = %broadcast_in_dim3A_74, %scan3A_456 = %broadcast_in_dim3A_74, %scan3A_457 = %broadcast_in_dim3A_74) -> (vector<16xf32>, vector<16xf32>, vector<16xf32>, vector<16xi32>, vector<16xi32>, vector<16xi32>)  : i32 {
        %mul3A_458 = arith.constant 48 : i32
        %mul3A_459 = arith.muli %scan3A_451, %mul3A_458 : i32
        %add3A_460 = arith.constant 0 : i32
        %add3A_461 = arith.addi %mul3A_459, %add3A_460 : i32
        %add3A_462 = arith.constant 0 : i32
        %add3A_463 = arith.addi %mul3A_459, %add3A_462 : i32
        %add3A_464 = vector.broadcast %add3A_463 : i32 to vector<16xi32>
        %add3A_465 = arith.addi %iota3A, %add3A_464 : vector<16xi32>
        %get3A = arith.index_cast %add3A_461 : i32 to index
        %get3A_466 = tpu.vector_load %arg10[%get3A] {strides = array<i32>} : memref<5136xf32, #tpu.memory_space<vmem>>, vector<16xf32>,
        %gt3A = arith.constant 5.000000e-02 : f32
        %gt3A_467 = vector.broadcast %gt3A : f32 to vector<16xf32>
        %gt3A_468 = arith.cmpf ogt, %get3A_466, %gt3A_467 : vector<16xf32>
        %jit3A_469 = arith.constant 0xFF800000 : f32
        %broadcast_in_dim3A_470 = vector.broadcast %jit3A_469 : f32 to vector<16xf32>
        %select_n3A_471 = arith.select %gt3A_468, %get3A_466, %broadcast_in_dim3A_470 : vector<16xi1>, vector<16xf32>
        %swap3A_472 = arith.index_cast %add3A_461 : i32 to index
        %swap3A_473 = tpu.vector_load %arg10[%swap3A_472] {strides = array<i32>} : memref<5136xf32, #tpu.memory_space<vmem>>, vector<16xf32>,
        tpu.vector_store %arg10[%swap3A_472], %select_n3A_471 {strides = array<i32>} : memref<5136xf32, #tpu.memory_space<vmem>>, vector<16xf32>,
        %gt3A_474 = arith.cmpf ogt, %select_n3A_471, %scan3A_452 : vector<16xf32>
        %select_n3A_475 = arith.select %gt3A_474, %select_n3A_471, %scan3A_452 : vector<16xi1>, vector<16xf32>
        %select_n3A_476 = arith.select %gt3A_474, %add3A_465, %scan3A_455 : vector<16xi1>, vector<16xi32>
        %get3A_477 = arith.index_cast %add3A_461 : i32 to index
        %get3A_478 = tpu.vector_load %arg11[%get3A_477] {strides = array<i32>} : memref<5136xf32, #tpu.memory_space<vmem>>, vector<16xf32>,
        %gt3A_479 = arith.constant 5.000000e-02 : f32
        %gt3A_480 = vector.broadcast %gt3A_479 : f32 to vector<16xf32>
        %gt3A_481 = arith.cmpf ogt, %get3A_478, %gt3A_480 : vector<16xf32>
        %jit3A_482 = arith.constant 0xFF800000 : f32
        %broadcast_in_dim3A_483 = vector.broadcast %jit3A_482 : f32 to vector<16xf32>
        %select_n3A_484 = arith.select %gt3A_481, %get3A_478, %broadcast_in_dim3A_483 : vector<16xi1>, vector<16xf32>
        %swap3A_485 = arith.index_cast %add3A_461 : i32 to index
        %swap3A_486 = tpu.vector_load %arg11[%swap3A_485] {strides = array<i32>} : memref<5136xf32, #tpu.memory_space<vmem>>, vector<16xf32>,
        tpu.vector_store %arg11[%swap3A_485], %select_n3A_484 {strides = array<i32>} : memref<5136xf32, #tpu.memory_space<vmem>>, vector<16xf32>,
        %gt3A_487 = arith.cmpf ogt, %select_n3A_484, %scan3A_453 : vector<16xf32>
        %select_n3A_488 = arith.select %gt3A_487, %select_n3A_484, %scan3A_453 : vector<16xi1>, vector<16xf32>
        %select_n3A_489 = arith.select %gt3A_487, %add3A_465, %scan3A_456 : vector<16xi1>, vector<16xi32>
        %get3A_490 = arith.index_cast %add3A_461 : i32 to index
        %get3A_491 = tpu.vector_load %arg12[%get3A_490] {strides = array<i32>} : memref<5136xf32, #tpu.memory_space<vmem>>, vector<16xf32>,
        %gt3A_492 = arith.constant 5.000000e-02 : f32
        %gt3A_493 = vector.broadcast %gt3A_492 : f32 to vector<16xf32>
        %gt3A_494 = arith.cmpf ogt, %get3A_491, %gt3A_493 : vector<16xf32>
        %jit3A_495 = arith.constant 0xFF800000 : f32
        %broadcast_in_dim3A_496 = vector.broadcast %jit3A_495 : f32 to vector<16xf32>
        %select_n3A_497 = arith.select %gt3A_494, %get3A_491, %broadcast_in_dim3A_496 : vector<16xi1>, vector<16xf32>
        %swap3A_498 = arith.index_cast %add3A_461 : i32 to index
        %swap3A_499 = tpu.vector_load %arg12[%swap3A_498] {strides = array<i32>} : memref<5136xf32, #tpu.memory_space<vmem>>, vector<16xf32>,
        tpu.vector_store %arg12[%swap3A_498], %select_n3A_497 {strides = array<i32>} : memref<5136xf32, #tpu.memory_space<vmem>>, vector<16xf32>,
        %gt3A_500 = arith.cmpf ogt, %select_n3A_497, %scan3A_454 : vector<16xf32>
        %select_n3A_501 = arith.select %gt3A_500, %select_n3A_497, %scan3A_454 : vector<16xi1>, vector<16xf32>
        %select_n3A_502 = arith.select %gt3A_500, %add3A_465, %scan3A_457 : vector<16xi1>, vector<16xi32>
        %add3A_503 = arith.constant 16 : i32
        %add3A_504 = arith.addi %mul3A_459, %add3A_503 : i32
        %add3A_505 = arith.constant 16 : i32
        %add3A_506 = arith.addi %mul3A_459, %add3A_505 : i32
        %add3A_507 = vector.broadcast %add3A_506 : i32 to vector<16xi32>
        %add3A_508 = arith.addi %iota3A, %add3A_507 : vector<16xi32>
        %get3A_509 = arith.index_cast %add3A_504 : i32 to index
        %get3A_510 = tpu.vector_load %arg10[%get3A_509] {strides = array<i32>} : memref<5136xf32, #tpu.memory_space<vmem>>, vector<16xf32>,
        %gt3A_511 = arith.constant 5.000000e-02 : f32
        %gt3A_512 = vector.broadcast %gt3A_511 : f32 to vector<16xf32>
        %gt3A_513 = arith.cmpf ogt, %get3A_510, %gt3A_512 : vector<16xf32>
        %jit3A_514 = arith.constant 0xFF800000 : f32
        %broadcast_in_dim3A_515 = vector.broadcast %jit3A_514 : f32 to vector<16xf32>
        %select_n3A_516 = arith.select %gt3A_513, %get3A_510, %broadcast_in_dim3A_515 : vector<16xi1>, vector<16xf32>
        %swap3A_517 = arith.index_cast %add3A_504 : i32 to index
        %swap3A_518 = tpu.vector_load %arg10[%swap3A_517] {strides = array<i32>} : memref<5136xf32, #tpu.memory_space<vmem>>, vector<16xf32>,
        tpu.vector_store %arg10[%swap3A_517], %select_n3A_516 {strides = array<i32>} : memref<5136xf32, #tpu.memory_space<vmem>>, vector<16xf32>,
        %gt3A_519 = arith.cmpf ogt, %select_n3A_516, %select_n3A_475 : vector<16xf32>
        %select_n3A_520 = arith.select %gt3A_519, %select_n3A_516, %select_n3A_475 : vector<16xi1>, vector<16xf32>
        %select_n3A_521 = arith.select %gt3A_519, %add3A_508, %select_n3A_476 : vector<16xi1>, vector<16xi32>
        %get3A_522 = arith.index_cast %add3A_504 : i32 to index
        %get3A_523 = tpu.vector_load %arg11[%get3A_522] {strides = array<i32>} : memref<5136xf32, #tpu.memory_space<vmem>>, vector<16xf32>,
        %gt3A_524 = arith.constant 5.000000e-02 : f32
        %gt3A_525 = vector.broadcast %gt3A_524 : f32 to vector<16xf32>
        %gt3A_526 = arith.cmpf ogt, %get3A_523, %gt3A_525 : vector<16xf32>
        %jit3A_527 = arith.constant 0xFF800000 : f32
        %broadcast_in_dim3A_528 = vector.broadcast %jit3A_527 : f32 to vector<16xf32>
        %select_n3A_529 = arith.select %gt3A_526, %get3A_523, %broadcast_in_dim3A_528 : vector<16xi1>, vector<16xf32>
        %swap3A_530 = arith.index_cast %add3A_504 : i32 to index
        %swap3A_531 = tpu.vector_load %arg11[%swap3A_530] {strides = array<i32>} : memref<5136xf32, #tpu.memory_space<vmem>>, vector<16xf32>,
        tpu.vector_store %arg11[%swap3A_530], %select_n3A_529 {strides = array<i32>} : memref<5136xf32, #tpu.memory_space<vmem>>, vector<16xf32>,
        %gt3A_532 = arith.cmpf ogt, %select_n3A_529, %select_n3A_488 : vector<16xf32>
        %select_n3A_533 = arith.select %gt3A_532, %select_n3A_529, %select_n3A_488 : vector<16xi1>, vector<16xf32>
        %select_n3A_534 = arith.select %gt3A_532, %add3A_508, %select_n3A_489 : vector<16xi1>, vector<16xi32>
        %get3A_535 = arith.index_cast %add3A_504 : i32 to index
        %get3A_536 = tpu.vector_load %arg12[%get3A_535] {strides = array<i32>} : memref<5136xf32, #tpu.memory_space<vmem>>, vector<16xf32>,
        %gt3A_537 = arith.constant 5.000000e-02 : f32
        %gt3A_538 = vector.broadcast %gt3A_537 : f32 to vector<16xf32>
        %gt3A_539 = arith.cmpf ogt, %get3A_536, %gt3A_538 : vector<16xf32>
        %jit3A_540 = arith.constant 0xFF800000 : f32
        %broadcast_in_dim3A_541 = vector.broadcast %jit3A_540 : f32 to vector<16xf32>
        %select_n3A_542 = arith.select %gt3A_539, %get3A_536, %broadcast_in_dim3A_541 : vector<16xi1>, vector<16xf32>
        %swap3A_543 = arith.index_cast %add3A_504 : i32 to index
        %swap3A_544 = tpu.vector_load %arg12[%swap3A_543] {strides = array<i32>} : memref<5136xf32, #tpu.memory_space<vmem>>, vector<16xf32>,
        tpu.vector_store %arg12[%swap3A_543], %select_n3A_542 {strides = array<i32>} : memref<5136xf32, #tpu.memory_space<vmem>>, vector<16xf32>,
        %gt3A_545 = arith.cmpf ogt, %select_n3A_542, %select_n3A_501 : vector<16xf32>
        %select_n3A_546 = arith.select %gt3A_545, %select_n3A_542, %select_n3A_501 : vector<16xi1>, vector<16xf32>
        %select_n3A_547 = arith.select %gt3A_545, %add3A_508, %select_n3A_502 : vector<16xi1>, vector<16xi32>
        %add3A_548 = arith.constant 32 : i32
        %add3A_549 = arith.addi %mul3A_459, %add3A_548 : i32
        %add3A_550 = arith.constant 32 : i32
        %add3A_551 = arith.addi %mul3A_459, %add3A_550 : i32
        %add3A_552 = vector.broadcast %add3A_551 : i32 to vector<16xi32>
        %add3A_553 = arith.addi %iota3A, %add3A_552 : vector<16xi32>
        %get3A_554 = arith.index_cast %add3A_549 : i32 to index
        %get3A_555 = tpu.vector_load %arg10[%get3A_554] {strides = array<i32>} : memref<5136xf32, #tpu.memory_space<vmem>>, vector<16xf32>,
        %gt3A_556 = arith.constant 5.000000e-02 : f32
        %gt3A_557 = vector.broadcast %gt3A_556 : f32 to vector<16xf32>
        %gt3A_558 = arith.cmpf ogt, %get3A_555, %gt3A_557 : vector<16xf32>
        %jit3A_559 = arith.constant 0xFF800000 : f32
        %broadcast_in_dim3A_560 = vector.broadcast %jit3A_559 : f32 to vector<16xf32>
        %select_n3A_561 = arith.select %gt3A_558, %get3A_555, %broadcast_in_dim3A_560 : vector<16xi1>, vector<16xf32>
        %swap3A_562 = arith.index_cast %add3A_549 : i32 to index
        %swap3A_563 = tpu.vector_load %arg10[%swap3A_562] {strides = array<i32>} : memref<5136xf32, #tpu.memory_space<vmem>>, vector<16xf32>,
        tpu.vector_store %arg10[%swap3A_562], %select_n3A_561 {strides = array<i32>} : memref<5136xf32, #tpu.memory_space<vmem>>, vector<16xf32>,
        %gt3A_564 = arith.cmpf ogt, %select_n3A_561, %select_n3A_520 : vector<16xf32>
        %select_n3A_565 = arith.select %gt3A_564, %select_n3A_561, %select_n3A_520 : vector<16xi1>, vector<16xf32>
        %select_n3A_566 = arith.select %gt3A_564, %add3A_553, %select_n3A_521 : vector<16xi1>, vector<16xi32>
        %get3A_567 = arith.index_cast %add3A_549 : i32 to index
        %get3A_568 = tpu.vector_load %arg11[%get3A_567] {strides = array<i32>} : memref<5136xf32, #tpu.memory_space<vmem>>, vector<16xf32>,
        %gt3A_569 = arith.constant 5.000000e-02 : f32
        %gt3A_570 = vector.broadcast %gt3A_569 : f32 to vector<16xf32>
        %gt3A_571 = arith.cmpf ogt, %get3A_568, %gt3A_570 : vector<16xf32>
        %jit3A_572 = arith.constant 0xFF800000 : f32
        %broadcast_in_dim3A_573 = vector.broadcast %jit3A_572 : f32 to vector<16xf32>
        %select_n3A_574 = arith.select %gt3A_571, %get3A_568, %broadcast_in_dim3A_573 : vector<16xi1>, vector<16xf32>
        %swap3A_575 = arith.index_cast %add3A_549 : i32 to index
        %swap3A_576 = tpu.vector_load %arg11[%swap3A_575] {strides = array<i32>} : memref<5136xf32, #tpu.memory_space<vmem>>, vector<16xf32>,
        tpu.vector_store %arg11[%swap3A_575], %select_n3A_574 {strides = array<i32>} : memref<5136xf32, #tpu.memory_space<vmem>>, vector<16xf32>,
        %gt3A_577 = arith.cmpf ogt, %select_n3A_574, %select_n3A_533 : vector<16xf32>
        %select_n3A_578 = arith.select %gt3A_577, %select_n3A_574, %select_n3A_533 : vector<16xi1>, vector<16xf32>
        %select_n3A_579 = arith.select %gt3A_577, %add3A_553, %select_n3A_534 : vector<16xi1>, vector<16xi32>
        %get3A_580 = arith.index_cast %add3A_549 : i32 to index
        %get3A_581 = tpu.vector_load %arg12[%get3A_580] {strides = array<i32>} : memref<5136xf32, #tpu.memory_space<vmem>>, vector<16xf32>,
        %gt3A_582 = arith.constant 5.000000e-02 : f32
        %gt3A_583 = vector.broadcast %gt3A_582 : f32 to vector<16xf32>
        %gt3A_584 = arith.cmpf ogt, %get3A_581, %gt3A_583 : vector<16xf32>
        %jit3A_585 = arith.constant 0xFF800000 : f32
        %broadcast_in_dim3A_586 = vector.broadcast %jit3A_585 : f32 to vector<16xf32>
        %select_n3A_587 = arith.select %gt3A_584, %get3A_581, %broadcast_in_dim3A_586 : vector<16xi1>, vector<16xf32>
        %swap3A_588 = arith.index_cast %add3A_549 : i32 to index
        %swap3A_589 = tpu.vector_load %arg12[%swap3A_588] {strides = array<i32>} : memref<5136xf32, #tpu.memory_space<vmem>>, vector<16xf32>,
        tpu.vector_store %arg12[%swap3A_588], %select_n3A_587 {strides = array<i32>} : memref<5136xf32, #tpu.memory_space<vmem>>, vector<16xf32>,
        %gt3A_590 = arith.cmpf ogt, %select_n3A_587, %select_n3A_546 : vector<16xf32>
        %select_n3A_591 = arith.select %gt3A_590, %select_n3A_587, %select_n3A_546 : vector<16xi1>, vector<16xf32>
        %select_n3A_592 = arith.select %gt3A_590, %add3A_553, %select_n3A_547 : vector<16xi1>, vector<16xi32>
        scf.yield %select_n3A_565, %select_n3A_578, %select_n3A_591, %select_n3A_566, %select_n3A_579, %select_n3A_592 : vector<16xf32>, vector<16xf32>, vector<16xf32>, vector<16xi32>, vector<16xi32>, vector<16xi32>
      }
      %scan3A_80 = arith.constant 107 : i32
      %xor3A = arith.constant 8 : i32
      %xor3A_81 = vector.broadcast %xor3A : i32 to vector<16xi32>
      %xor3A_82 = arith.xori %iota3A, %xor3A_81 : vector<16xi32>
      %lt3A_83 = arith.constant 0 : i32
      %lt3A_84 = vector.broadcast %lt3A_83 : i32 to vector<16xi32>
      %lt3A_85 = arith.cmpi slt, %xor3A_82, %lt3A_84 : vector<16xi32>
      %add3A_86 = arith.constant 16 : i32
      %add3A_87 = vector.broadcast %add3A_86 : i32 to vector<16xi32>
      %add3A_88 = arith.addi %xor3A_82, %add3A_87 : vector<16xi32>
      %select_n3A = arith.select %lt3A_85, %add3A_88, %xor3A_82 : vector<16xi1>, vector<16xi32>
      %broadcast_in_dim3A_89 = vector.shape_cast %select_n3A : vector<16xi32> to vector<16x1xi32>
      %gather3A = vector.shape_cast %broadcast_in_dim3A_89 : vector<16x1xi32> to vector<16xi32>
      %gather3A_90 = tpu.dynamic_gather %scan3A_79#0[%gather3A] in [0] : vector<16xf32>, vector<16xi32> -> vector<16xf32>
      %max3A = arith.maximumf %scan3A_79#0, %gather3A_90 : vector<16xf32>
      %xor3A_91 = arith.constant 4 : i32
      %xor3A_92 = vector.broadcast %xor3A_91 : i32 to vector<16xi32>
      %xor3A_93 = arith.xori %iota3A, %xor3A_92 : vector<16xi32>
      %lt3A_94 = arith.constant 0 : i32
      %lt3A_95 = vector.broadcast %lt3A_94 : i32 to vector<16xi32>
      %lt3A_96 = arith.cmpi slt, %xor3A_93, %lt3A_95 : vector<16xi32>
      %add3A_97 = arith.constant 16 : i32
      %add3A_98 = vector.broadcast %add3A_97 : i32 to vector<16xi32>
      %add3A_99 = arith.addi %xor3A_93, %add3A_98 : vector<16xi32>
      %select_n3A_100 = arith.select %lt3A_96, %add3A_99, %xor3A_93 : vector<16xi1>, vector<16xi32>
      %broadcast_in_dim3A_101 = vector.shape_cast %select_n3A_100 : vector<16xi32> to vector<16x1xi32>
      %gather3A_102 = vector.shape_cast %broadcast_in_dim3A_101 : vector<16x1xi32> to vector<16xi32>
      %gather3A_103 = tpu.dynamic_gather %max3A[%gather3A_102] in [0] : vector<16xf32>, vector<16xi32> -> vector<16xf32>
      %max3A_104 = arith.maximumf %max3A, %gather3A_103 : vector<16xf32>
      %xor3A_105 = arith.constant 2 : i32
      %xor3A_106 = vector.broadcast %xor3A_105 : i32 to vector<16xi32>
      %xor3A_107 = arith.xori %iota3A, %xor3A_106 : vector<16xi32>
      %lt3A_108 = arith.constant 0 : i32
      %lt3A_109 = vector.broadcast %lt3A_108 : i32 to vector<16xi32>
      %lt3A_110 = arith.cmpi slt, %xor3A_107, %lt3A_109 : vector<16xi32>
      %add3A_111 = arith.constant 16 : i32
      %add3A_112 = vector.broadcast %add3A_111 : i32 to vector<16xi32>
      %add3A_113 = arith.addi %xor3A_107, %add3A_112 : vector<16xi32>
      %select_n3A_114 = arith.select %lt3A_110, %add3A_113, %xor3A_107 : vector<16xi1>, vector<16xi32>
      %broadcast_in_dim3A_115 = vector.shape_cast %select_n3A_114 : vector<16xi32> to vector<16x1xi32>
      %gather3A_116 = vector.shape_cast %broadcast_in_dim3A_115 : vector<16x1xi32> to vector<16xi32>
      %gather3A_117 = tpu.dynamic_gather %max3A_104[%gather3A_116] in [0] : vector<16xf32>, vector<16xi32> -> vector<16xf32>
      %max3A_118 = arith.maximumf %max3A_104, %gather3A_117 : vector<16xf32>
      %xor3A_119 = arith.constant 1 : i32
      %xor3A_120 = vector.broadcast %xor3A_119 : i32 to vector<16xi32>
      %xor3A_121 = arith.xori %iota3A, %xor3A_120 : vector<16xi32>
      %lt3A_122 = arith.constant 0 : i32
      %lt3A_123 = vector.broadcast %lt3A_122 : i32 to vector<16xi32>
      %lt3A_124 = arith.cmpi slt, %xor3A_121, %lt3A_123 : vector<16xi32>
      %add3A_125 = arith.constant 16 : i32
      %add3A_126 = vector.broadcast %add3A_125 : i32 to vector<16xi32>
      %add3A_127 = arith.addi %xor3A_121, %add3A_126 : vector<16xi32>
      %select_n3A_128 = arith.select %lt3A_124, %add3A_127, %xor3A_121 : vector<16xi1>, vector<16xi32>
      %broadcast_in_dim3A_129 = vector.shape_cast %select_n3A_128 : vector<16xi32> to vector<16x1xi32>
      %gather3A_130 = vector.shape_cast %broadcast_in_dim3A_129 : vector<16x1xi32> to vector<16xi32>
      %gather3A_131 = tpu.dynamic_gather %max3A_118[%gather3A_130] in [0] : vector<16xf32>, vector<16xi32> -> vector<16xf32>
      %max3A_132 = arith.maximumf %max3A_118, %gather3A_131 : vector<16xf32>
      %eq3A = arith.cmpf oeq, %scan3A_79#0, %max3A_132 : vector<16xf32>
      %jit3A = arith.constant 2147483647 : i32
      %broadcast_in_dim3A_133 = vector.broadcast %jit3A : i32 to vector<16xi32>
      %select_n3A_134 = arith.select %eq3A, %scan3A_79#3, %broadcast_in_dim3A_133 : vector<16xi1>, vector<16xi32>
      %xor3A_135 = arith.constant 8 : i32
      %xor3A_136 = vector.broadcast %xor3A_135 : i32 to vector<16xi32>
      %xor3A_137 = arith.xori %iota3A, %xor3A_136 : vector<16xi32>
      %lt3A_138 = arith.constant 0 : i32
      %lt3A_139 = vector.broadcast %lt3A_138 : i32 to vector<16xi32>
      %lt3A_140 = arith.cmpi slt, %xor3A_137, %lt3A_139 : vector<16xi32>
      %add3A_141 = arith.constant 16 : i32
      %add3A_142 = vector.broadcast %add3A_141 : i32 to vector<16xi32>
      %add3A_143 = arith.addi %xor3A_137, %add3A_142 : vector<16xi32>
      %select_n3A_144 = arith.select %lt3A_140, %add3A_143, %xor3A_137 : vector<16xi1>, vector<16xi32>
      %broadcast_in_dim3A_145 = vector.shape_cast %select_n3A_144 : vector<16xi32> to vector<16x1xi32>
      %gather3A_146 = vector.shape_cast %broadcast_in_dim3A_145 : vector<16x1xi32> to vector<16xi32>
      %gather3A_147 = tpu.dynamic_gather %select_n3A_134[%gather3A_146] in [0] : vector<16xi32>, vector<16xi32> -> vector<16xi32>
      %min3A = arith.minsi %select_n3A_134, %gather3A_147 : vector<16xi32>
      %xor3A_148 = arith.constant 4 : i32
      %xor3A_149 = vector.broadcast %xor3A_148 : i32 to vector<16xi32>
      %xor3A_150 = arith.xori %iota3A, %xor3A_149 : vector<16xi32>
      %lt3A_151 = arith.constant 0 : i32
      %lt3A_152 = vector.broadcast %lt3A_151 : i32 to vector<16xi32>
      %lt3A_153 = arith.cmpi slt, %xor3A_150, %lt3A_152 : vector<16xi32>
      %add3A_154 = arith.constant 16 : i32
      %add3A_155 = vector.broadcast %add3A_154 : i32 to vector<16xi32>
      %add3A_156 = arith.addi %xor3A_150, %add3A_155 : vector<16xi32>
      %select_n3A_157 = arith.select %lt3A_153, %add3A_156, %xor3A_150 : vector<16xi1>, vector<16xi32>
      %broadcast_in_dim3A_158 = vector.shape_cast %select_n3A_157 : vector<16xi32> to vector<16x1xi32>
      %gather3A_159 = vector.shape_cast %broadcast_in_dim3A_158 : vector<16x1xi32> to vector<16xi32>
      %gather3A_160 = tpu.dynamic_gather %min3A[%gather3A_159] in [0] : vector<16xi32>, vector<16xi32> -> vector<16xi32>
      %min3A_161 = arith.minsi %min3A, %gather3A_160 : vector<16xi32>
      %xor3A_162 = arith.constant 2 : i32
      %xor3A_163 = vector.broadcast %xor3A_162 : i32 to vector<16xi32>
      %xor3A_164 = arith.xori %iota3A, %xor3A_163 : vector<16xi32>
      %lt3A_165 = arith.constant 0 : i32
      %lt3A_166 = vector.broadcast %lt3A_165 : i32 to vector<16xi32>
      %lt3A_167 = arith.cmpi slt, %xor3A_164, %lt3A_166 : vector<16xi32>
      %add3A_168 = arith.constant 16 : i32
      %add3A_169 = vector.broadcast %add3A_168 : i32 to vector<16xi32>
      %add3A_170 = arith.addi %xor3A_164, %add3A_169 : vector<16xi32>
      %select_n3A_171 = arith.select %lt3A_167, %add3A_170, %xor3A_164 : vector<16xi1>, vector<16xi32>
      %broadcast_in_dim3A_172 = vector.shape_cast %select_n3A_171 : vector<16xi32> to vector<16x1xi32>
      %gather3A_173 = vector.shape_cast %broadcast_in_dim3A_172 : vector<16x1xi32> to vector<16xi32>
      %gather3A_174 = tpu.dynamic_gather %min3A_161[%gather3A_173] in [0] : vector<16xi32>, vector<16xi32> -> vector<16xi32>
      %min3A_175 = arith.minsi %min3A_161, %gather3A_174 : vector<16xi32>
      %xor3A_176 = arith.constant 1 : i32
      %xor3A_177 = vector.broadcast %xor3A_176 : i32 to vector<16xi32>
      %xor3A_178 = arith.xori %iota3A, %xor3A_177 : vector<16xi32>
      %lt3A_179 = arith.constant 0 : i32
      %lt3A_180 = vector.broadcast %lt3A_179 : i32 to vector<16xi32>
      %lt3A_181 = arith.cmpi slt, %xor3A_178, %lt3A_180 : vector<16xi32>
      %add3A_182 = arith.constant 16 : i32
      %add3A_183 = vector.broadcast %add3A_182 : i32 to vector<16xi32>
      %add3A_184 = arith.addi %xor3A_178, %add3A_183 : vector<16xi32>
      %select_n3A_185 = arith.select %lt3A_181, %add3A_184, %xor3A_178 : vector<16xi1>, vector<16xi32>
      %broadcast_in_dim3A_186 = vector.shape_cast %select_n3A_185 : vector<16xi32> to vector<16x1xi32>
      %gather3A_187 = vector.shape_cast %broadcast_in_dim3A_186 : vector<16x1xi32> to vector<16xi32>
      %gather3A_188 = tpu.dynamic_gather %min3A_175[%gather3A_187] in [0] : vector<16xi32>, vector<16xi32> -> vector<16xi32>
      %min3A_189 = arith.minsi %min3A_175, %gather3A_188 : vector<16xi32>
      %xor3A_190 = arith.constant 8 : i32
      %xor3A_191 = vector.broadcast %xor3A_190 : i32 to vector<16xi32>
      %xor3A_192 = arith.xori %iota3A, %xor3A_191 : vector<16xi32>
      %lt3A_193 = arith.constant 0 : i32
      %lt3A_194 = vector.broadcast %lt3A_193 : i32 to vector<16xi32>
      %lt3A_195 = arith.cmpi slt, %xor3A_192, %lt3A_194 : vector<16xi32>
      %add3A_196 = arith.constant 16 : i32
      %add3A_197 = vector.broadcast %add3A_196 : i32 to vector<16xi32>
      %add3A_198 = arith.addi %xor3A_192, %add3A_197 : vector<16xi32>
      %select_n3A_199 = arith.select %lt3A_195, %add3A_198, %xor3A_192 : vector<16xi1>, vector<16xi32>
      %broadcast_in_dim3A_200 = vector.shape_cast %select_n3A_199 : vector<16xi32> to vector<16x1xi32>
      %gather3A_201 = vector.shape_cast %broadcast_in_dim3A_200 : vector<16x1xi32> to vector<16xi32>
      %gather3A_202 = tpu.dynamic_gather %scan3A_79#1[%gather3A_201] in [0] : vector<16xf32>, vector<16xi32> -> vector<16xf32>
      %max3A_203 = arith.maximumf %scan3A_79#1, %gather3A_202 : vector<16xf32>
      %xor3A_204 = arith.constant 4 : i32
      %xor3A_205 = vector.broadcast %xor3A_204 : i32 to vector<16xi32>
      %xor3A_206 = arith.xori %iota3A, %xor3A_205 : vector<16xi32>
      %lt3A_207 = arith.constant 0 : i32
      %lt3A_208 = vector.broadcast %lt3A_207 : i32 to vector<16xi32>
      %lt3A_209 = arith.cmpi slt, %xor3A_206, %lt3A_208 : vector<16xi32>
      %add3A_210 = arith.constant 16 : i32
      %add3A_211 = vector.broadcast %add3A_210 : i32 to vector<16xi32>
      %add3A_212 = arith.addi %xor3A_206, %add3A_211 : vector<16xi32>
      %select_n3A_213 = arith.select %lt3A_209, %add3A_212, %xor3A_206 : vector<16xi1>, vector<16xi32>
      %broadcast_in_dim3A_214 = vector.shape_cast %select_n3A_213 : vector<16xi32> to vector<16x1xi32>
      %gather3A_215 = vector.shape_cast %broadcast_in_dim3A_214 : vector<16x1xi32> to vector<16xi32>
      %gather3A_216 = tpu.dynamic_gather %max3A_203[%gather3A_215] in [0] : vector<16xf32>, vector<16xi32> -> vector<16xf32>
      %max3A_217 = arith.maximumf %max3A_203, %gather3A_216 : vector<16xf32>
      %xor3A_218 = arith.constant 2 : i32
      %xor3A_219 = vector.broadcast %xor3A_218 : i32 to vector<16xi32>
      %xor3A_220 = arith.xori %iota3A, %xor3A_219 : vector<16xi32>
      %lt3A_221 = arith.constant 0 : i32
      %lt3A_222 = vector.broadcast %lt3A_221 : i32 to vector<16xi32>
      %lt3A_223 = arith.cmpi slt, %xor3A_220, %lt3A_222 : vector<16xi32>
      %add3A_224 = arith.constant 16 : i32
      %add3A_225 = vector.broadcast %add3A_224 : i32 to vector<16xi32>
      %add3A_226 = arith.addi %xor3A_220, %add3A_225 : vector<16xi32>
      %select_n3A_227 = arith.select %lt3A_223, %add3A_226, %xor3A_220 : vector<16xi1>, vector<16xi32>
      %broadcast_in_dim3A_228 = vector.shape_cast %select_n3A_227 : vector<16xi32> to vector<16x1xi32>
      %gather3A_229 = vector.shape_cast %broadcast_in_dim3A_228 : vector<16x1xi32> to vector<16xi32>
      %gather3A_230 = tpu.dynamic_gather %max3A_217[%gather3A_229] in [0] : vector<16xf32>, vector<16xi32> -> vector<16xf32>
      %max3A_231 = arith.maximumf %max3A_217, %gather3A_230 : vector<16xf32>
      %xor3A_232 = arith.constant 1 : i32
      %xor3A_233 = vector.broadcast %xor3A_232 : i32 to vector<16xi32>
      %xor3A_234 = arith.xori %iota3A, %xor3A_233 : vector<16xi32>
      %lt3A_235 = arith.constant 0 : i32
      %lt3A_236 = vector.broadcast %lt3A_235 : i32 to vector<16xi32>
      %lt3A_237 = arith.cmpi slt, %xor3A_234, %lt3A_236 : vector<16xi32>
      %add3A_238 = arith.constant 16 : i32
      %add3A_239 = vector.broadcast %add3A_238 : i32 to vector<16xi32>
      %add3A_240 = arith.addi %xor3A_234, %add3A_239 : vector<16xi32>
      %select_n3A_241 = arith.select %lt3A_237, %add3A_240, %xor3A_234 : vector<16xi1>, vector<16xi32>
      %broadcast_in_dim3A_242 = vector.shape_cast %select_n3A_241 : vector<16xi32> to vector<16x1xi32>
      %gather3A_243 = vector.shape_cast %broadcast_in_dim3A_242 : vector<16x1xi32> to vector<16xi32>
      %gather3A_244 = tpu.dynamic_gather %max3A_231[%gather3A_243] in [0] : vector<16xf32>, vector<16xi32> -> vector<16xf32>
      %max3A_245 = arith.maximumf %max3A_231, %gather3A_244 : vector<16xf32>
      %eq3A_246 = arith.cmpf oeq, %scan3A_79#1, %max3A_245 : vector<16xf32>
      %jit3A_247 = arith.constant 2147483647 : i32
      %broadcast_in_dim3A_248 = vector.broadcast %jit3A_247 : i32 to vector<16xi32>
      %select_n3A_249 = arith.select %eq3A_246, %scan3A_79#4, %broadcast_in_dim3A_248 : vector<16xi1>, vector<16xi32>
      %xor3A_250 = arith.constant 8 : i32
      %xor3A_251 = vector.broadcast %xor3A_250 : i32 to vector<16xi32>
      %xor3A_252 = arith.xori %iota3A, %xor3A_251 : vector<16xi32>
      %lt3A_253 = arith.constant 0 : i32
      %lt3A_254 = vector.broadcast %lt3A_253 : i32 to vector<16xi32>
      %lt3A_255 = arith.cmpi slt, %xor3A_252, %lt3A_254 : vector<16xi32>
      %add3A_256 = arith.constant 16 : i32
      %add3A_257 = vector.broadcast %add3A_256 : i32 to vector<16xi32>
      %add3A_258 = arith.addi %xor3A_252, %add3A_257 : vector<16xi32>
      %select_n3A_259 = arith.select %lt3A_255, %add3A_258, %xor3A_252 : vector<16xi1>, vector<16xi32>
      %broadcast_in_dim3A_260 = vector.shape_cast %select_n3A_259 : vector<16xi32> to vector<16x1xi32>
      %gather3A_261 = vector.shape_cast %broadcast_in_dim3A_260 : vector<16x1xi32> to vector<16xi32>
      %gather3A_262 = tpu.dynamic_gather %select_n3A_249[%gather3A_261] in [0] : vector<16xi32>, vector<16xi32> -> vector<16xi32>
      %min3A_263 = arith.minsi %select_n3A_249, %gather3A_262 : vector<16xi32>
      %xor3A_264 = arith.constant 4 : i32
      %xor3A_265 = vector.broadcast %xor3A_264 : i32 to vector<16xi32>
      %xor3A_266 = arith.xori %iota3A, %xor3A_265 : vector<16xi32>
      %lt3A_267 = arith.constant 0 : i32
      %lt3A_268 = vector.broadcast %lt3A_267 : i32 to vector<16xi32>
      %lt3A_269 = arith.cmpi slt, %xor3A_266, %lt3A_268 : vector<16xi32>
      %add3A_270 = arith.constant 16 : i32
      %add3A_271 = vector.broadcast %add3A_270 : i32 to vector<16xi32>
      %add3A_272 = arith.addi %xor3A_266, %add3A_271 : vector<16xi32>
      %select_n3A_273 = arith.select %lt3A_269, %add3A_272, %xor3A_266 : vector<16xi1>, vector<16xi32>
      %broadcast_in_dim3A_274 = vector.shape_cast %select_n3A_273 : vector<16xi32> to vector<16x1xi32>
      %gather3A_275 = vector.shape_cast %broadcast_in_dim3A_274 : vector<16x1xi32> to vector<16xi32>
      %gather3A_276 = tpu.dynamic_gather %min3A_263[%gather3A_275] in [0] : vector<16xi32>, vector<16xi32> -> vector<16xi32>
      %min3A_277 = arith.minsi %min3A_263, %gather3A_276 : vector<16xi32>
      %xor3A_278 = arith.constant 2 : i32
      %xor3A_279 = vector.broadcast %xor3A_278 : i32 to vector<16xi32>
      %xor3A_280 = arith.xori %iota3A, %xor3A_279 : vector<16xi32>
      %lt3A_281 = arith.constant 0 : i32
      %lt3A_282 = vector.broadcast %lt3A_281 : i32 to vector<16xi32>
      %lt3A_283 = arith.cmpi slt, %xor3A_280, %lt3A_282 : vector<16xi32>
      %add3A_284 = arith.constant 16 : i32
      %add3A_285 = vector.broadcast %add3A_284 : i32 to vector<16xi32>
      %add3A_286 = arith.addi %xor3A_280, %add3A_285 : vector<16xi32>
      %select_n3A_287 = arith.select %lt3A_283, %add3A_286, %xor3A_280 : vector<16xi1>, vector<16xi32>
      %broadcast_in_dim3A_288 = vector.shape_cast %select_n3A_287 : vector<16xi32> to vector<16x1xi32>
      %gather3A_289 = vector.shape_cast %broadcast_in_dim3A_288 : vector<16x1xi32> to vector<16xi32>
      %gather3A_290 = tpu.dynamic_gather %min3A_277[%gather3A_289] in [0] : vector<16xi32>, vector<16xi32> -> vector<16xi32>
      %min3A_291 = arith.minsi %min3A_277, %gather3A_290 : vector<16xi32>
      %xor3A_292 = arith.constant 1 : i32
      %xor3A_293 = vector.broadcast %xor3A_292 : i32 to vector<16xi32>
      %xor3A_294 = arith.xori %iota3A, %xor3A_293 : vector<16xi32>
      %lt3A_295 = arith.constant 0 : i32
      %lt3A_296 = vector.broadcast %lt3A_295 : i32 to vector<16xi32>
      %lt3A_297 = arith.cmpi slt, %xor3A_294, %lt3A_296 : vector<16xi32>
      %add3A_298 = arith.constant 16 : i32
      %add3A_299 = vector.broadcast %add3A_298 : i32 to vector<16xi32>
      %add3A_300 = arith.addi %xor3A_294, %add3A_299 : vector<16xi32>
      %select_n3A_301 = arith.select %lt3A_297, %add3A_300, %xor3A_294 : vector<16xi1>, vector<16xi32>
      %broadcast_in_dim3A_302 = vector.shape_cast %select_n3A_301 : vector<16xi32> to vector<16x1xi32>
      %gather3A_303 = vector.shape_cast %broadcast_in_dim3A_302 : vector<16x1xi32> to vector<16xi32>
      %gather3A_304 = tpu.dynamic_gather %min3A_291[%gather3A_303] in [0] : vector<16xi32>, vector<16xi32> -> vector<16xi32>
      %min3A_305 = arith.minsi %min3A_291, %gather3A_304 : vector<16xi32>
      %xor3A_306 = arith.constant 8 : i32
      %xor3A_307 = vector.broadcast %xor3A_306 : i32 to vector<16xi32>
      %xor3A_308 = arith.xori %iota3A, %xor3A_307 : vector<16xi32>
      %lt3A_309 = arith.constant 0 : i32
      %lt3A_310 = vector.broadcast %lt3A_309 : i32 to vector<16xi32>
      %lt3A_311 = arith.cmpi slt, %xor3A_308, %lt3A_310 : vector<16xi32>
      %add3A_312 = arith.constant 16 : i32
      %add3A_313 = vector.broadcast %add3A_312 : i32 to vector<16xi32>
      %add3A_314 = arith.addi %xor3A_308, %add3A_313 : vector<16xi32>
      %select_n3A_315 = arith.select %lt3A_311, %add3A_314, %xor3A_308 : vector<16xi1>, vector<16xi32>
      %broadcast_in_dim3A_316 = vector.shape_cast %select_n3A_315 : vector<16xi32> to vector<16x1xi32>
      %gather3A_317 = vector.shape_cast %broadcast_in_dim3A_316 : vector<16x1xi32> to vector<16xi32>
      %gather3A_318 = tpu.dynamic_gather %scan3A_79#2[%gather3A_317] in [0] : vector<16xf32>, vector<16xi32> -> vector<16xf32>
      %max3A_319 = arith.maximumf %scan3A_79#2, %gather3A_318 : vector<16xf32>
      %xor3A_320 = arith.constant 4 : i32
      %xor3A_321 = vector.broadcast %xor3A_320 : i32 to vector<16xi32>
      %xor3A_322 = arith.xori %iota3A, %xor3A_321 : vector<16xi32>
      %lt3A_323 = arith.constant 0 : i32
      %lt3A_324 = vector.broadcast %lt3A_323 : i32 to vector<16xi32>
      %lt3A_325 = arith.cmpi slt, %xor3A_322, %lt3A_324 : vector<16xi32>
      %add3A_326 = arith.constant 16 : i32
      %add3A_327 = vector.broadcast %add3A_326 : i32 to vector<16xi32>
      %add3A_328 = arith.addi %xor3A_322, %add3A_327 : vector<16xi32>
      %select_n3A_329 = arith.select %lt3A_325, %add3A_328, %xor3A_322 : vector<16xi1>, vector<16xi32>
      %broadcast_in_dim3A_330 = vector.shape_cast %select_n3A_329 : vector<16xi32> to vector<16x1xi32>
      %gather3A_331 = vector.shape_cast %broadcast_in_dim3A_330 : vector<16x1xi32> to vector<16xi32>
      %gather3A_332 = tpu.dynamic_gather %max3A_319[%gather3A_331] in [0] : vector<16xf32>, vector<16xi32> -> vector<16xf32>
      %max3A_333 = arith.maximumf %max3A_319, %gather3A_332 : vector<16xf32>
      %xor3A_334 = arith.constant 2 : i32
      %xor3A_335 = vector.broadcast %xor3A_334 : i32 to vector<16xi32>
      %xor3A_336 = arith.xori %iota3A, %xor3A_335 : vector<16xi32>
      %lt3A_337 = arith.constant 0 : i32
      %lt3A_338 = vector.broadcast %lt3A_337 : i32 to vector<16xi32>
      %lt3A_339 = arith.cmpi slt, %xor3A_336, %lt3A_338 : vector<16xi32>
      %add3A_340 = arith.constant 16 : i32
      %add3A_341 = vector.broadcast %add3A_340 : i32 to vector<16xi32>
      %add3A_342 = arith.addi %xor3A_336, %add3A_341 : vector<16xi32>
      %select_n3A_343 = arith.select %lt3A_339, %add3A_342, %xor3A_336 : vector<16xi1>, vector<16xi32>
      %broadcast_in_dim3A_344 = vector.shape_cast %select_n3A_343 : vector<16xi32> to vector<16x1xi32>
      %gather3A_345 = vector.shape_cast %broadcast_in_dim3A_344 : vector<16x1xi32> to vector<16xi32>
      %gather3A_346 = tpu.dynamic_gather %max3A_333[%gather3A_345] in [0] : vector<16xf32>, vector<16xi32> -> vector<16xf32>
      %max3A_347 = arith.maximumf %max3A_333, %gather3A_346 : vector<16xf32>
      %xor3A_348 = arith.constant 1 : i32
      %xor3A_349 = vector.broadcast %xor3A_348 : i32 to vector<16xi32>
      %xor3A_350 = arith.xori %iota3A, %xor3A_349 : vector<16xi32>
      %lt3A_351 = arith.constant 0 : i32
      %lt3A_352 = vector.broadcast %lt3A_351 : i32 to vector<16xi32>
      %lt3A_353 = arith.cmpi slt, %xor3A_350, %lt3A_352 : vector<16xi32>
      %add3A_354 = arith.constant 16 : i32
      %add3A_355 = vector.broadcast %add3A_354 : i32 to vector<16xi32>
      %add3A_356 = arith.addi %xor3A_350, %add3A_355 : vector<16xi32>
      %select_n3A_357 = arith.select %lt3A_353, %add3A_356, %xor3A_350 : vector<16xi1>, vector<16xi32>
      %broadcast_in_dim3A_358 = vector.shape_cast %select_n3A_357 : vector<16xi32> to vector<16x1xi32>
      %gather3A_359 = vector.shape_cast %broadcast_in_dim3A_358 : vector<16x1xi32> to vector<16xi32>
      %gather3A_360 = tpu.dynamic_gather %max3A_347[%gather3A_359] in [0] : vector<16xf32>, vector<16xi32> -> vector<16xf32>
      %max3A_361 = arith.maximumf %max3A_347, %gather3A_360 : vector<16xf32>
      %eq3A_362 = arith.cmpf oeq, %scan3A_79#2, %max3A_361 : vector<16xf32>
      %jit3A_363 = arith.constant 2147483647 : i32
      %broadcast_in_dim3A_364 = vector.broadcast %jit3A_363 : i32 to vector<16xi32>
      %select_n3A_365 = arith.select %eq3A_362, %scan3A_79#5, %broadcast_in_dim3A_364 : vector<16xi1>, vector<16xi32>
      %xor3A_366 = arith.constant 8 : i32
      %xor3A_367 = vector.broadcast %xor3A_366 : i32 to vector<16xi32>
      %xor3A_368 = arith.xori %iota3A, %xor3A_367 : vector<16xi32>
      %lt3A_369 = arith.constant 0 : i32
      %lt3A_370 = vector.broadcast %lt3A_369 : i32 to vector<16xi32>
      %lt3A_371 = arith.cmpi slt, %xor3A_368, %lt3A_370 : vector<16xi32>
      %add3A_372 = arith.constant 16 : i32
      %add3A_373 = vector.broadcast %add3A_372 : i32 to vector<16xi32>
      %add3A_374 = arith.addi %xor3A_368, %add3A_373 : vector<16xi32>
      %select_n3A_375 = arith.select %lt3A_371, %add3A_374, %xor3A_368 : vector<16xi1>, vector<16xi32>
      %broadcast_in_dim3A_376 = vector.shape_cast %select_n3A_375 : vector<16xi32> to vector<16x1xi32>
      %gather3A_377 = vector.shape_cast %broadcast_in_dim3A_376 : vector<16x1xi32> to vector<16xi32>
      %gather3A_378 = tpu.dynamic_gather %select_n3A_365[%gather3A_377] in [0] : vector<16xi32>, vector<16xi32> -> vector<16xi32>
      %min3A_379 = arith.minsi %select_n3A_365, %gather3A_378 : vector<16xi32>
      %xor3A_380 = arith.constant 4 : i32
      %xor3A_381 = vector.broadcast %xor3A_380 : i32 to vector<16xi32>
      %xor3A_382 = arith.xori %iota3A, %xor3A_381 : vector<16xi32>
      %lt3A_383 = arith.constant 0 : i32
      %lt3A_384 = vector.broadcast %lt3A_383 : i32 to vector<16xi32>
      %lt3A_385 = arith.cmpi slt, %xor3A_382, %lt3A_384 : vector<16xi32>
      %add3A_386 = arith.constant 16 : i32
      %add3A_387 = vector.broadcast %add3A_386 : i32 to vector<16xi32>
      %add3A_388 = arith.addi %xor3A_382, %add3A_387 : vector<16xi32>
      %select_n3A_389 = arith.select %lt3A_385, %add3A_388, %xor3A_382 : vector<16xi1>, vector<16xi32>
      %broadcast_in_dim3A_390 = vector.shape_cast %select_n3A_389 : vector<16xi32> to vector<16x1xi32>
      %gather3A_391 = vector.shape_cast %broadcast_in_dim3A_390 : vector<16x1xi32> to vector<16xi32>
      %gather3A_392 = tpu.dynamic_gather %min3A_379[%gather3A_391] in [0] : vector<16xi32>, vector<16xi32> -> vector<16xi32>
      %min3A_393 = arith.minsi %min3A_379, %gather3A_392 : vector<16xi32>
      %xor3A_394 = arith.constant 2 : i32
      %xor3A_395 = vector.broadcast %xor3A_394 : i32 to vector<16xi32>
      %xor3A_396 = arith.xori %iota3A, %xor3A_395 : vector<16xi32>
      %lt3A_397 = arith.constant 0 : i32
      %lt3A_398 = vector.broadcast %lt3A_397 : i32 to vector<16xi32>
      %lt3A_399 = arith.cmpi slt, %xor3A_396, %lt3A_398 : vector<16xi32>
      %add3A_400 = arith.constant 16 : i32
      %add3A_401 = vector.broadcast %add3A_400 : i32 to vector<16xi32>
      %add3A_402 = arith.addi %xor3A_396, %add3A_401 : vector<16xi32>
      %select_n3A_403 = arith.select %lt3A_399, %add3A_402, %xor3A_396 : vector<16xi1>, vector<16xi32>
      %broadcast_in_dim3A_404 = vector.shape_cast %select_n3A_403 : vector<16xi32> to vector<16x1xi32>
      %gather3A_405 = vector.shape_cast %broadcast_in_dim3A_404 : vector<16x1xi32> to vector<16xi32>
      %gather3A_406 = tpu.dynamic_gather %min3A_393[%gather3A_405] in [0] : vector<16xi32>, vector<16xi32> -> vector<16xi32>
      %min3A_407 = arith.minsi %min3A_393, %gather3A_406 : vector<16xi32>
      %xor3A_408 = arith.constant 1 : i32
      %xor3A_409 = vector.broadcast %xor3A_408 : i32 to vector<16xi32>
      %xor3A_410 = arith.xori %iota3A, %xor3A_409 : vector<16xi32>
      %lt3A_411 = arith.constant 0 : i32
      %lt3A_412 = vector.broadcast %lt3A_411 : i32 to vector<16xi32>
      %lt3A_413 = arith.cmpi slt, %xor3A_410, %lt3A_412 : vector<16xi32>
      %add3A_414 = arith.constant 16 : i32
      %add3A_415 = vector.broadcast %add3A_414 : i32 to vector<16xi32>
      %add3A_416 = arith.addi %xor3A_410, %add3A_415 : vector<16xi32>
      %select_n3A_417 = arith.select %lt3A_413, %add3A_416, %xor3A_410 : vector<16xi1>, vector<16xi32>
      %broadcast_in_dim3A_418 = vector.shape_cast %select_n3A_417 : vector<16xi32> to vector<16x1xi32>
      %gather3A_419 = vector.shape_cast %broadcast_in_dim3A_418 : vector<16x1xi32> to vector<16xi32>
      %gather3A_420 = tpu.dynamic_gather %min3A_407[%gather3A_419] in [0] : vector<16xi32>, vector<16xi32> -> vector<16xi32>
      %min3A_421 = arith.minsi %min3A_407, %gather3A_420 : vector<16xi32>
      %broadcast_in_dim3A_422 = arith.constant 0 : i32
      %broadcast_in_dim3A_423 = vector.broadcast %broadcast_in_dim3A_422 : i32 to vector<16xi32>
      %scan3A_424 = arith.constant 0 : i32
      %scan3A_425 = arith.constant 100 : i32
      %scan3A_426 = arith.addi %scan3A_424, %scan3A_425 : i32
      %scan3A_427 = arith.constant 1 : i32
      %scan3A_428:9 = scf.for %scan3A_451 = %scan3A_424 to %scan3A_426 step %scan3A_427 iter_args(%scan3A_452 = %max3A_132, %scan3A_453 = %max3A_245, %scan3A_454 = %max3A_361, %scan3A_455 = %min3A_189, %scan3A_456 = %min3A_305, %scan3A_457 = %min3A_421, %scan3A_458 = %broadcast_in_dim3A_423, %scan3A_459 = %broadcast_in_dim3A_423, %scan3A_460 = %broadcast_in_dim3A_423) -> (vector<16xf32>, vector<16xf32>, vector<16xf32>, vector<16xi32>, vector<16xi32>, vector<16xi32>, vector<16xi32>, vector<16xi32>, vector<16xi32>)  : i32 {
        %broadcast_in_dim3A_461 = vector.broadcast %scan3A_451 : i32 to vector<16xi32>
        %ne3A = arith.constant 0xFF800000 : f32
        %ne3A_462 = vector.broadcast %ne3A : f32 to vector<16xf32>
        %ne3A_463 = arith.cmpf one, %scan3A_452, %ne3A_462 : vector<16xf32>
        %eq3A_464 = arith.constant 0 : i32
        %eq3A_465 = vector.broadcast %eq3A_464 : i32 to vector<16xi32>
        %eq3A_466 = arith.cmpi eq, %iota3A, %eq3A_465 : vector<16xi32>
        %and3A = arith.andi %eq3A_466, %ne3A_463 : vector<16xi1>
        tpu.vector_store_idx %arg13[%broadcast_in_dim3A_461], %scan3A_455 masked %and3A : memref<128xi32, #tpu.memory_space<vmem>>[vector<16xi32>], vector<16xi32>, vector<16xi1>
        %convert_element_type3A_467 = arith.extui %ne3A_463 : vector<16xi1> to vector<16xi32>
        %add3A_468 = arith.addi %scan3A_458, %convert_element_type3A_467 : vector<16xi32>
        %gather3A_469 = tpu.vector_load_idx %arg5[%scan3A_455] : memref<5136xf32, #tpu.memory_space<vmem>>[vector<16xi32>], vector<16xf32>,
        %gather3A_470 = tpu.vector_load_idx %arg6[%scan3A_455] : memref<5136xf32, #tpu.memory_space<vmem>>[vector<16xi32>], vector<16xf32>,
        %gather3A_471 = tpu.vector_load_idx %arg7[%scan3A_455] : memref<5136xf32, #tpu.memory_space<vmem>>[vector<16xi32>], vector<16xf32>,
        %gather3A_472 = tpu.vector_load_idx %arg8[%scan3A_455] : memref<5136xf32, #tpu.memory_space<vmem>>[vector<16xi32>], vector<16xf32>,
        %gather3A_473 = tpu.vector_load_idx %arg9[%scan3A_455] : memref<5136xf32, #tpu.memory_space<vmem>>[vector<16xi32>], vector<16xf32>,
        %ne3A_474 = arith.constant 0xFF800000 : f32
        %ne3A_475 = vector.broadcast %ne3A_474 : f32 to vector<16xf32>
        %ne3A_476 = arith.cmpf one, %scan3A_453, %ne3A_475 : vector<16xf32>
        %eq3A_477 = arith.constant 0 : i32
        %eq3A_478 = vector.broadcast %eq3A_477 : i32 to vector<16xi32>
        %eq3A_479 = arith.cmpi eq, %iota3A, %eq3A_478 : vector<16xi32>
        %and3A_480 = arith.andi %eq3A_479, %ne3A_476 : vector<16xi1>
        tpu.vector_store_idx %arg14[%broadcast_in_dim3A_461], %scan3A_456 masked %and3A_480 : memref<128xi32, #tpu.memory_space<vmem>>[vector<16xi32>], vector<16xi32>, vector<16xi1>
        %convert_element_type3A_481 = arith.extui %ne3A_476 : vector<16xi1> to vector<16xi32>
        %add3A_482 = arith.addi %scan3A_459, %convert_element_type3A_481 : vector<16xi32>
        %gather3A_483 = tpu.vector_load_idx %arg5[%scan3A_456] : memref<5136xf32, #tpu.memory_space<vmem>>[vector<16xi32>], vector<16xf32>,
        %gather3A_484 = tpu.vector_load_idx %arg6[%scan3A_456] : memref<5136xf32, #tpu.memory_space<vmem>>[vector<16xi32>], vector<16xf32>,
        %gather3A_485 = tpu.vector_load_idx %arg7[%scan3A_456] : memref<5136xf32, #tpu.memory_space<vmem>>[vector<16xi32>], vector<16xf32>,
        %gather3A_486 = tpu.vector_load_idx %arg8[%scan3A_456] : memref<5136xf32, #tpu.memory_space<vmem>>[vector<16xi32>], vector<16xf32>,
        %gather3A_487 = tpu.vector_load_idx %arg9[%scan3A_456] : memref<5136xf32, #tpu.memory_space<vmem>>[vector<16xi32>], vector<16xf32>,
        %ne3A_488 = arith.constant 0xFF800000 : f32
        %ne3A_489 = vector.broadcast %ne3A_488 : f32 to vector<16xf32>
        %ne3A_490 = arith.cmpf one, %scan3A_454, %ne3A_489 : vector<16xf32>
        %eq3A_491 = arith.constant 0 : i32
        %eq3A_492 = vector.broadcast %eq3A_491 : i32 to vector<16xi32>
        %eq3A_493 = arith.cmpi eq, %iota3A, %eq3A_492 : vector<16xi32>
        %and3A_494 = arith.andi %eq3A_493, %ne3A_490 : vector<16xi1>
        tpu.vector_store_idx %arg15[%broadcast_in_dim3A_461], %scan3A_457 masked %and3A_494 : memref<128xi32, #tpu.memory_space<vmem>>[vector<16xi32>], vector<16xi32>, vector<16xi1>
        %convert_element_type3A_495 = arith.extui %ne3A_490 : vector<16xi1> to vector<16xi32>
        %add3A_496 = arith.addi %scan3A_460, %convert_element_type3A_495 : vector<16xi32>
        %gather3A_497 = tpu.vector_load_idx %arg5[%scan3A_457] : memref<5136xf32, #tpu.memory_space<vmem>>[vector<16xi32>], vector<16xf32>,
        %gather3A_498 = tpu.vector_load_idx %arg6[%scan3A_457] : memref<5136xf32, #tpu.memory_space<vmem>>[vector<16xi32>], vector<16xf32>,
        %gather3A_499 = tpu.vector_load_idx %arg7[%scan3A_457] : memref<5136xf32, #tpu.memory_space<vmem>>[vector<16xi32>], vector<16xf32>,
        %gather3A_500 = tpu.vector_load_idx %arg8[%scan3A_457] : memref<5136xf32, #tpu.memory_space<vmem>>[vector<16xi32>], vector<16xf32>,
        %gather3A_501 = tpu.vector_load_idx %arg9[%scan3A_457] : memref<5136xf32, #tpu.memory_space<vmem>>[vector<16xi32>], vector<16xf32>,
        %broadcast_in_dim3A_502 = arith.constant 0xFF800000 : f32
        %broadcast_in_dim3A_503 = vector.broadcast %broadcast_in_dim3A_502 : f32 to vector<16xf32>
        %broadcast_in_dim3A_504 = arith.constant 0 : i32
        %broadcast_in_dim3A_505 = vector.broadcast %broadcast_in_dim3A_504 : i32 to vector<16xi32>
        %scan3A_506 = arith.constant 0 : i32
        %scan3A_507 = arith.constant 107 : i32
        %scan3A_508 = arith.addi %scan3A_506, %scan3A_507 : i32
        %scan3A_509 = arith.constant 1 : i32
        %scan3A_510:6 = scf.for %scan3A_860 = %scan3A_506 to %scan3A_508 step %scan3A_509 iter_args(%scan3A_861 = %broadcast_in_dim3A_503, %scan3A_862 = %broadcast_in_dim3A_503, %scan3A_863 = %broadcast_in_dim3A_503, %scan3A_864 = %broadcast_in_dim3A_505, %scan3A_865 = %broadcast_in_dim3A_505, %scan3A_866 = %broadcast_in_dim3A_505) -> (vector<16xf32>, vector<16xf32>, vector<16xf32>, vector<16xi32>, vector<16xi32>, vector<16xi32>)  : i32 {
          %mul3A_867 = arith.constant 48 : i32
          %mul3A_868 = arith.muli %scan3A_860, %mul3A_867 : i32
          %add3A_869 = arith.constant 0 : i32
          %add3A_870 = arith.addi %mul3A_868, %add3A_869 : i32
          %get3A = arith.index_cast %add3A_870 : i32 to index
          %get3A_871 = tpu.vector_load %arg5[%get3A] {strides = array<i32>} : memref<5136xf32, #tpu.memory_space<vmem>>, vector<16xf32>,
          %get3A_872 = arith.index_cast %add3A_870 : i32 to index
          %get3A_873 = tpu.vector_load %arg6[%get3A_872] {strides = array<i32>} : memref<5136xf32, #tpu.memory_space<vmem>>, vector<16xf32>,
          %get3A_874 = arith.index_cast %add3A_870 : i32 to index
          %get3A_875 = tpu.vector_load %arg7[%get3A_874] {strides = array<i32>} : memref<5136xf32, #tpu.memory_space<vmem>>, vector<16xf32>,
          %get3A_876 = arith.index_cast %add3A_870 : i32 to index
          %get3A_877 = tpu.vector_load %arg8[%get3A_876] {strides = array<i32>} : memref<5136xf32, #tpu.memory_space<vmem>>, vector<16xf32>,
          %get3A_878 = arith.index_cast %add3A_870 : i32 to index
          %get3A_879 = tpu.vector_load %arg9[%get3A_878] {strides = array<i32>} : memref<5136xf32, #tpu.memory_space<vmem>>, vector<16xf32>,
          %add3A_880 = arith.constant 0 : i32
          %add3A_881 = arith.addi %mul3A_868, %add3A_880 : i32
          %add3A_882 = vector.broadcast %add3A_881 : i32 to vector<16xi32>
          %add3A_883 = arith.addi %iota3A, %add3A_882 : vector<16xi32>
          %get3A_884 = arith.index_cast %add3A_870 : i32 to index
          %get3A_885 = tpu.vector_load %arg10[%get3A_884] {strides = array<i32>} : memref<5136xf32, #tpu.memory_space<vmem>>, vector<16xf32>,
          %max3A_886 = arith.maximumf %gather3A_469, %get3A_871 : vector<16xf32>
          %max3A_887 = arith.maximumf %gather3A_470, %get3A_873 : vector<16xf32>
          %min3A_888 = arith.minimumf %gather3A_471, %get3A_875 : vector<16xf32>
          %min3A_889 = arith.minimumf %gather3A_472, %get3A_877 : vector<16xf32>
          %sub3A = arith.subf %min3A_888, %max3A_886 : vector<16xf32>
          %max3A_890 = arith.constant 0.000000e+00 : f32
          %max3A_891 = vector.broadcast %max3A_890 : f32 to vector<16xf32>
          %max3A_892 = arith.maximumf %sub3A, %max3A_891 : vector<16xf32>
          %sub3A_893 = arith.subf %min3A_889, %max3A_887 : vector<16xf32>
          %max3A_894 = arith.constant 0.000000e+00 : f32
          %max3A_895 = vector.broadcast %max3A_894 : f32 to vector<16xf32>
          %max3A_896 = arith.maximumf %sub3A_893, %max3A_895 : vector<16xf32>
          %mul3A_897 = arith.mulf %max3A_892, %max3A_896 : vector<16xf32>
          %add3A_898 = arith.addf %gather3A_473, %get3A_879 : vector<16xf32>
          %sub3A_899 = arith.subf %add3A_898, %mul3A_897 : vector<16xf32>
          %add3A_900 = arith.addf %mul3A_897, %mul3A_897 : vector<16xf32>
          %gt3A = arith.cmpf ogt, %add3A_900, %sub3A_899 : vector<16xf32>
          %jit3A_901 = arith.constant 0xFF800000 : f32
          %broadcast_in_dim3A_902 = vector.broadcast %jit3A_901 : f32 to vector<16xf32>
          %select_n3A_903 = arith.select %gt3A, %broadcast_in_dim3A_902, %get3A_885 : vector<16xi1>, vector<16xf32>
          %swap3A_904 = arith.index_cast %add3A_870 : i32 to index
          %swap3A_905 = tpu.vector_load %arg10[%swap3A_904] {strides = array<i32>} : memref<5136xf32, #tpu.memory_space<vmem>>, vector<16xf32>,
          tpu.vector_store %arg10[%swap3A_904], %select_n3A_903 {strides = array<i32>} : memref<5136xf32, #tpu.memory_space<vmem>>, vector<16xf32>,
          %gt3A_906 = arith.cmpf ogt, %select_n3A_903, %scan3A_861 : vector<16xf32>
          %select_n3A_907 = arith.select %gt3A_906, %select_n3A_903, %scan3A_861 : vector<16xi1>, vector<16xf32>
          %select_n3A_908 = arith.select %gt3A_906, %add3A_883, %scan3A_864 : vector<16xi1>, vector<16xi32>
          %get3A_909 = arith.index_cast %add3A_870 : i32 to index
          %get3A_910 = tpu.vector_load %arg11[%get3A_909] {strides = array<i32>} : memref<5136xf32, #tpu.memory_space<vmem>>, vector<16xf32>,
          %max3A_911 = arith.maximumf %gather3A_483, %get3A_871 : vector<16xf32>
          %max3A_912 = arith.maximumf %gather3A_484, %get3A_873 : vector<16xf32>
          %min3A_913 = arith.minimumf %gather3A_485, %get3A_875 : vector<16xf32>
          %min3A_914 = arith.minimumf %gather3A_486, %get3A_877 : vector<16xf32>
          %sub3A_915 = arith.subf %min3A_913, %max3A_911 : vector<16xf32>
          %max3A_916 = arith.constant 0.000000e+00 : f32
          %max3A_917 = vector.broadcast %max3A_916 : f32 to vector<16xf32>
          %max3A_918 = arith.maximumf %sub3A_915, %max3A_917 : vector<16xf32>
          %sub3A_919 = arith.subf %min3A_914, %max3A_912 : vector<16xf32>
          %max3A_920 = arith.constant 0.000000e+00 : f32
          %max3A_921 = vector.broadcast %max3A_920 : f32 to vector<16xf32>
          %max3A_922 = arith.maximumf %sub3A_919, %max3A_921 : vector<16xf32>
          %mul3A_923 = arith.mulf %max3A_918, %max3A_922 : vector<16xf32>
          %add3A_924 = arith.addf %gather3A_487, %get3A_879 : vector<16xf32>
          %sub3A_925 = arith.subf %add3A_924, %mul3A_923 : vector<16xf32>
          %add3A_926 = arith.addf %mul3A_923, %mul3A_923 : vector<16xf32>
          %gt3A_927 = arith.cmpf ogt, %add3A_926, %sub3A_925 : vector<16xf32>
          %jit3A_928 = arith.constant 0xFF800000 : f32
          %broadcast_in_dim3A_929 = vector.broadcast %jit3A_928 : f32 to vector<16xf32>
          %select_n3A_930 = arith.select %gt3A_927, %broadcast_in_dim3A_929, %get3A_910 : vector<16xi1>, vector<16xf32>
          %swap3A_931 = arith.index_cast %add3A_870 : i32 to index
          %swap3A_932 = tpu.vector_load %arg11[%swap3A_931] {strides = array<i32>} : memref<5136xf32, #tpu.memory_space<vmem>>, vector<16xf32>,
          tpu.vector_store %arg11[%swap3A_931], %select_n3A_930 {strides = array<i32>} : memref<5136xf32, #tpu.memory_space<vmem>>, vector<16xf32>,
          %gt3A_933 = arith.cmpf ogt, %select_n3A_930, %scan3A_862 : vector<16xf32>
          %select_n3A_934 = arith.select %gt3A_933, %select_n3A_930, %scan3A_862 : vector<16xi1>, vector<16xf32>
          %select_n3A_935 = arith.select %gt3A_933, %add3A_883, %scan3A_865 : vector<16xi1>, vector<16xi32>
          %get3A_936 = arith.index_cast %add3A_870 : i32 to index
          %get3A_937 = tpu.vector_load %arg12[%get3A_936] {strides = array<i32>} : memref<5136xf32, #tpu.memory_space<vmem>>, vector<16xf32>,
          %max3A_938 = arith.maximumf %gather3A_497, %get3A_871 : vector<16xf32>
          %max3A_939 = arith.maximumf %gather3A_498, %get3A_873 : vector<16xf32>
          %min3A_940 = arith.minimumf %gather3A_499, %get3A_875 : vector<16xf32>
          %min3A_941 = arith.minimumf %gather3A_500, %get3A_877 : vector<16xf32>
          %sub3A_942 = arith.subf %min3A_940, %max3A_938 : vector<16xf32>
          %max3A_943 = arith.constant 0.000000e+00 : f32
          %max3A_944 = vector.broadcast %max3A_943 : f32 to vector<16xf32>
          %max3A_945 = arith.maximumf %sub3A_942, %max3A_944 : vector<16xf32>
          %sub3A_946 = arith.subf %min3A_941, %max3A_939 : vector<16xf32>
          %max3A_947 = arith.constant 0.000000e+00 : f32
          %max3A_948 = vector.broadcast %max3A_947 : f32 to vector<16xf32>
          %max3A_949 = arith.maximumf %sub3A_946, %max3A_948 : vector<16xf32>
          %mul3A_950 = arith.mulf %max3A_945, %max3A_949 : vector<16xf32>
          %add3A_951 = arith.addf %gather3A_501, %get3A_879 : vector<16xf32>
          %sub3A_952 = arith.subf %add3A_951, %mul3A_950 : vector<16xf32>
          %add3A_953 = arith.addf %mul3A_950, %mul3A_950 : vector<16xf32>
          %gt3A_954 = arith.cmpf ogt, %add3A_953, %sub3A_952 : vector<16xf32>
          %jit3A_955 = arith.constant 0xFF800000 : f32
          %broadcast_in_dim3A_956 = vector.broadcast %jit3A_955 : f32 to vector<16xf32>
          %select_n3A_957 = arith.select %gt3A_954, %broadcast_in_dim3A_956, %get3A_937 : vector<16xi1>, vector<16xf32>
          %swap3A_958 = arith.index_cast %add3A_870 : i32 to index
          %swap3A_959 = tpu.vector_load %arg12[%swap3A_958] {strides = array<i32>} : memref<5136xf32, #tpu.memory_space<vmem>>, vector<16xf32>,
          tpu.vector_store %arg12[%swap3A_958], %select_n3A_957 {strides = array<i32>} : memref<5136xf32, #tpu.memory_space<vmem>>, vector<16xf32>,
          %gt3A_960 = arith.cmpf ogt, %select_n3A_957, %scan3A_863 : vector<16xf32>
          %select_n3A_961 = arith.select %gt3A_960, %select_n3A_957, %scan3A_863 : vector<16xi1>, vector<16xf32>
          %select_n3A_962 = arith.select %gt3A_960, %add3A_883, %scan3A_866 : vector<16xi1>, vector<16xi32>
          %add3A_963 = arith.constant 16 : i32
          %add3A_964 = arith.addi %mul3A_868, %add3A_963 : i32
          %get3A_965 = arith.index_cast %add3A_964 : i32 to index
          %get3A_966 = tpu.vector_load %arg5[%get3A_965] {strides = array<i32>} : memref<5136xf32, #tpu.memory_space<vmem>>, vector<16xf32>,
          %get3A_967 = arith.index_cast %add3A_964 : i32 to index
          %get3A_968 = tpu.vector_load %arg6[%get3A_967] {strides = array<i32>} : memref<5136xf32, #tpu.memory_space<vmem>>, vector<16xf32>,
          %get3A_969 = arith.index_cast %add3A_964 : i32 to index
          %get3A_970 = tpu.vector_load %arg7[%get3A_969] {strides = array<i32>} : memref<5136xf32, #tpu.memory_space<vmem>>, vector<16xf32>,
          %get3A_971 = arith.index_cast %add3A_964 : i32 to index
          %get3A_972 = tpu.vector_load %arg8[%get3A_971] {strides = array<i32>} : memref<5136xf32, #tpu.memory_space<vmem>>, vector<16xf32>,
          %get3A_973 = arith.index_cast %add3A_964 : i32 to index
          %get3A_974 = tpu.vector_load %arg9[%get3A_973] {strides = array<i32>} : memref<5136xf32, #tpu.memory_space<vmem>>, vector<16xf32>,
          %add3A_975 = arith.constant 16 : i32
          %add3A_976 = arith.addi %mul3A_868, %add3A_975 : i32
          %add3A_977 = vector.broadcast %add3A_976 : i32 to vector<16xi32>
          %add3A_978 = arith.addi %iota3A, %add3A_977 : vector<16xi32>
          %get3A_979 = arith.index_cast %add3A_964 : i32 to index
          %get3A_980 = tpu.vector_load %arg10[%get3A_979] {strides = array<i32>} : memref<5136xf32, #tpu.memory_space<vmem>>, vector<16xf32>,
          %max3A_981 = arith.maximumf %gather3A_469, %get3A_966 : vector<16xf32>
          %max3A_982 = arith.maximumf %gather3A_470, %get3A_968 : vector<16xf32>
          %min3A_983 = arith.minimumf %gather3A_471, %get3A_970 : vector<16xf32>
          %min3A_984 = arith.minimumf %gather3A_472, %get3A_972 : vector<16xf32>
          %sub3A_985 = arith.subf %min3A_983, %max3A_981 : vector<16xf32>
          %max3A_986 = arith.constant 0.000000e+00 : f32
          %max3A_987 = vector.broadcast %max3A_986 : f32 to vector<16xf32>
          %max3A_988 = arith.maximumf %sub3A_985, %max3A_987 : vector<16xf32>
          %sub3A_989 = arith.subf %min3A_984, %max3A_982 : vector<16xf32>
          %max3A_990 = arith.constant 0.000000e+00 : f32
          %max3A_991 = vector.broadcast %max3A_990 : f32 to vector<16xf32>
          %max3A_992 = arith.maximumf %sub3A_989, %max3A_991 : vector<16xf32>
          %mul3A_993 = arith.mulf %max3A_988, %max3A_992 : vector<16xf32>
          %add3A_994 = arith.addf %gather3A_473, %get3A_974 : vector<16xf32>
          %sub3A_995 = arith.subf %add3A_994, %mul3A_993 : vector<16xf32>
          %add3A_996 = arith.addf %mul3A_993, %mul3A_993 : vector<16xf32>
          %gt3A_997 = arith.cmpf ogt, %add3A_996, %sub3A_995 : vector<16xf32>
          %jit3A_998 = arith.constant 0xFF800000 : f32
          %broadcast_in_dim3A_999 = vector.broadcast %jit3A_998 : f32 to vector<16xf32>
          %select_n3A_1000 = arith.select %gt3A_997, %broadcast_in_dim3A_999, %get3A_980 : vector<16xi1>, vector<16xf32>
          %swap3A_1001 = arith.index_cast %add3A_964 : i32 to index
          %swap3A_1002 = tpu.vector_load %arg10[%swap3A_1001] {strides = array<i32>} : memref<5136xf32, #tpu.memory_space<vmem>>, vector<16xf32>,
          tpu.vector_store %arg10[%swap3A_1001], %select_n3A_1000 {strides = array<i32>} : memref<5136xf32, #tpu.memory_space<vmem>>, vector<16xf32>,
          %gt3A_1003 = arith.cmpf ogt, %select_n3A_1000, %select_n3A_907 : vector<16xf32>
          %select_n3A_1004 = arith.select %gt3A_1003, %select_n3A_1000, %select_n3A_907 : vector<16xi1>, vector<16xf32>
          %select_n3A_1005 = arith.select %gt3A_1003, %add3A_978, %select_n3A_908 : vector<16xi1>, vector<16xi32>
          %get3A_1006 = arith.index_cast %add3A_964 : i32 to index
          %get3A_1007 = tpu.vector_load %arg11[%get3A_1006] {strides = array<i32>} : memref<5136xf32, #tpu.memory_space<vmem>>, vector<16xf32>,
          %max3A_1008 = arith.maximumf %gather3A_483, %get3A_966 : vector<16xf32>
          %max3A_1009 = arith.maximumf %gather3A_484, %get3A_968 : vector<16xf32>
          %min3A_1010 = arith.minimumf %gather3A_485, %get3A_970 : vector<16xf32>
          %min3A_1011 = arith.minimumf %gather3A_486, %get3A_972 : vector<16xf32>
          %sub3A_1012 = arith.subf %min3A_1010, %max3A_1008 : vector<16xf32>
          %max3A_1013 = arith.constant 0.000000e+00 : f32
          %max3A_1014 = vector.broadcast %max3A_1013 : f32 to vector<16xf32>
          %max3A_1015 = arith.maximumf %sub3A_1012, %max3A_1014 : vector<16xf32>
          %sub3A_1016 = arith.subf %min3A_1011, %max3A_1009 : vector<16xf32>
          %max3A_1017 = arith.constant 0.000000e+00 : f32
          %max3A_1018 = vector.broadcast %max3A_1017 : f32 to vector<16xf32>
          %max3A_1019 = arith.maximumf %sub3A_1016, %max3A_1018 : vector<16xf32>
          %mul3A_1020 = arith.mulf %max3A_1015, %max3A_1019 : vector<16xf32>
          %add3A_1021 = arith.addf %gather3A_487, %get3A_974 : vector<16xf32>
          %sub3A_1022 = arith.subf %add3A_1021, %mul3A_1020 : vector<16xf32>
          %add3A_1023 = arith.addf %mul3A_1020, %mul3A_1020 : vector<16xf32>
          %gt3A_1024 = arith.cmpf ogt, %add3A_1023, %sub3A_1022 : vector<16xf32>
          %jit3A_1025 = arith.constant 0xFF800000 : f32
          %broadcast_in_dim3A_1026 = vector.broadcast %jit3A_1025 : f32 to vector<16xf32>
          %select_n3A_1027 = arith.select %gt3A_1024, %broadcast_in_dim3A_1026, %get3A_1007 : vector<16xi1>, vector<16xf32>
          %swap3A_1028 = arith.index_cast %add3A_964 : i32 to index
          %swap3A_1029 = tpu.vector_load %arg11[%swap3A_1028] {strides = array<i32>} : memref<5136xf32, #tpu.memory_space<vmem>>, vector<16xf32>,
          tpu.vector_store %arg11[%swap3A_1028], %select_n3A_1027 {strides = array<i32>} : memref<5136xf32, #tpu.memory_space<vmem>>, vector<16xf32>,
          %gt3A_1030 = arith.cmpf ogt, %select_n3A_1027, %select_n3A_934 : vector<16xf32>
          %select_n3A_1031 = arith.select %gt3A_1030, %select_n3A_1027, %select_n3A_934 : vector<16xi1>, vector<16xf32>
          %select_n3A_1032 = arith.select %gt3A_1030, %add3A_978, %select_n3A_935 : vector<16xi1>, vector<16xi32>
          %get3A_1033 = arith.index_cast %add3A_964 : i32 to index
          %get3A_1034 = tpu.vector_load %arg12[%get3A_1033] {strides = array<i32>} : memref<5136xf32, #tpu.memory_space<vmem>>, vector<16xf32>,
          %max3A_1035 = arith.maximumf %gather3A_497, %get3A_966 : vector<16xf32>
          %max3A_1036 = arith.maximumf %gather3A_498, %get3A_968 : vector<16xf32>
          %min3A_1037 = arith.minimumf %gather3A_499, %get3A_970 : vector<16xf32>
          %min3A_1038 = arith.minimumf %gather3A_500, %get3A_972 : vector<16xf32>
          %sub3A_1039 = arith.subf %min3A_1037, %max3A_1035 : vector<16xf32>
          %max3A_1040 = arith.constant 0.000000e+00 : f32
          %max3A_1041 = vector.broadcast %max3A_1040 : f32 to vector<16xf32>
          %max3A_1042 = arith.maximumf %sub3A_1039, %max3A_1041 : vector<16xf32>
          %sub3A_1043 = arith.subf %min3A_1038, %max3A_1036 : vector<16xf32>
          %max3A_1044 = arith.constant 0.000000e+00 : f32
          %max3A_1045 = vector.broadcast %max3A_1044 : f32 to vector<16xf32>
          %max3A_1046 = arith.maximumf %sub3A_1043, %max3A_1045 : vector<16xf32>
          %mul3A_1047 = arith.mulf %max3A_1042, %max3A_1046 : vector<16xf32>
          %add3A_1048 = arith.addf %gather3A_501, %get3A_974 : vector<16xf32>
          %sub3A_1049 = arith.subf %add3A_1048, %mul3A_1047 : vector<16xf32>
          %add3A_1050 = arith.addf %mul3A_1047, %mul3A_1047 : vector<16xf32>
          %gt3A_1051 = arith.cmpf ogt, %add3A_1050, %sub3A_1049 : vector<16xf32>
          %jit3A_1052 = arith.constant 0xFF800000 : f32
          %broadcast_in_dim3A_1053 = vector.broadcast %jit3A_1052 : f32 to vector<16xf32>
          %select_n3A_1054 = arith.select %gt3A_1051, %broadcast_in_dim3A_1053, %get3A_1034 : vector<16xi1>, vector<16xf32>
          %swap3A_1055 = arith.index_cast %add3A_964 : i32 to index
          %swap3A_1056 = tpu.vector_load %arg12[%swap3A_1055] {strides = array<i32>} : memref<5136xf32, #tpu.memory_space<vmem>>, vector<16xf32>,
          tpu.vector_store %arg12[%swap3A_1055], %select_n3A_1054 {strides = array<i32>} : memref<5136xf32, #tpu.memory_space<vmem>>, vector<16xf32>,
          %gt3A_1057 = arith.cmpf ogt, %select_n3A_1054, %select_n3A_961 : vector<16xf32>
          %select_n3A_1058 = arith.select %gt3A_1057, %select_n3A_1054, %select_n3A_961 : vector<16xi1>, vector<16xf32>
          %select_n3A_1059 = arith.select %gt3A_1057, %add3A_978, %select_n3A_962 : vector<16xi1>, vector<16xi32>
          %add3A_1060 = arith.constant 32 : i32
          %add3A_1061 = arith.addi %mul3A_868, %add3A_1060 : i32
          %get3A_1062 = arith.index_cast %add3A_1061 : i32 to index
          %get3A_1063 = tpu.vector_load %arg5[%get3A_1062] {strides = array<i32>} : memref<5136xf32, #tpu.memory_space<vmem>>, vector<16xf32>,
          %get3A_1064 = arith.index_cast %add3A_1061 : i32 to index
          %get3A_1065 = tpu.vector_load %arg6[%get3A_1064] {strides = array<i32>} : memref<5136xf32, #tpu.memory_space<vmem>>, vector<16xf32>,
          %get3A_1066 = arith.index_cast %add3A_1061 : i32 to index
          %get3A_1067 = tpu.vector_load %arg7[%get3A_1066] {strides = array<i32>} : memref<5136xf32, #tpu.memory_space<vmem>>, vector<16xf32>,
          %get3A_1068 = arith.index_cast %add3A_1061 : i32 to index
          %get3A_1069 = tpu.vector_load %arg8[%get3A_1068] {strides = array<i32>} : memref<5136xf32, #tpu.memory_space<vmem>>, vector<16xf32>,
          %get3A_1070 = arith.index_cast %add3A_1061 : i32 to index
          %get3A_1071 = tpu.vector_load %arg9[%get3A_1070] {strides = array<i32>} : memref<5136xf32, #tpu.memory_space<vmem>>, vector<16xf32>,
          %add3A_1072 = arith.constant 32 : i32
          %add3A_1073 = arith.addi %mul3A_868, %add3A_1072 : i32
          %add3A_1074 = vector.broadcast %add3A_1073 : i32 to vector<16xi32>
          %add3A_1075 = arith.addi %iota3A, %add3A_1074 : vector<16xi32>
          %get3A_1076 = arith.index_cast %add3A_1061 : i32 to index
          %get3A_1077 = tpu.vector_load %arg10[%get3A_1076] {strides = array<i32>} : memref<5136xf32, #tpu.memory_space<vmem>>, vector<16xf32>,
          %max3A_1078 = arith.maximumf %gather3A_469, %get3A_1063 : vector<16xf32>
          %max3A_1079 = arith.maximumf %gather3A_470, %get3A_1065 : vector<16xf32>
          %min3A_1080 = arith.minimumf %gather3A_471, %get3A_1067 : vector<16xf32>
          %min3A_1081 = arith.minimumf %gather3A_472, %get3A_1069 : vector<16xf32>
          %sub3A_1082 = arith.subf %min3A_1080, %max3A_1078 : vector<16xf32>
          %max3A_1083 = arith.constant 0.000000e+00 : f32
          %max3A_1084 = vector.broadcast %max3A_1083 : f32 to vector<16xf32>
          %max3A_1085 = arith.maximumf %sub3A_1082, %max3A_1084 : vector<16xf32>
          %sub3A_1086 = arith.subf %min3A_1081, %max3A_1079 : vector<16xf32>
          %max3A_1087 = arith.constant 0.000000e+00 : f32
          %max3A_1088 = vector.broadcast %max3A_1087 : f32 to vector<16xf32>
          %max3A_1089 = arith.maximumf %sub3A_1086, %max3A_1088 : vector<16xf32>
          %mul3A_1090 = arith.mulf %max3A_1085, %max3A_1089 : vector<16xf32>
          %add3A_1091 = arith.addf %gather3A_473, %get3A_1071 : vector<16xf32>
          %sub3A_1092 = arith.subf %add3A_1091, %mul3A_1090 : vector<16xf32>
          %add3A_1093 = arith.addf %mul3A_1090, %mul3A_1090 : vector<16xf32>
          %gt3A_1094 = arith.cmpf ogt, %add3A_1093, %sub3A_1092 : vector<16xf32>
          %jit3A_1095 = arith.constant 0xFF800000 : f32
          %broadcast_in_dim3A_1096 = vector.broadcast %jit3A_1095 : f32 to vector<16xf32>
          %select_n3A_1097 = arith.select %gt3A_1094, %broadcast_in_dim3A_1096, %get3A_1077 : vector<16xi1>, vector<16xf32>
          %swap3A_1098 = arith.index_cast %add3A_1061 : i32 to index
          %swap3A_1099 = tpu.vector_load %arg10[%swap3A_1098] {strides = array<i32>} : memref<5136xf32, #tpu.memory_space<vmem>>, vector<16xf32>,
          tpu.vector_store %arg10[%swap3A_1098], %select_n3A_1097 {strides = array<i32>} : memref<5136xf32, #tpu.memory_space<vmem>>, vector<16xf32>,
          %gt3A_1100 = arith.cmpf ogt, %select_n3A_1097, %select_n3A_1004 : vector<16xf32>
          %select_n3A_1101 = arith.select %gt3A_1100, %select_n3A_1097, %select_n3A_1004 : vector<16xi1>, vector<16xf32>
          %select_n3A_1102 = arith.select %gt3A_1100, %add3A_1075, %select_n3A_1005 : vector<16xi1>, vector<16xi32>
          %get3A_1103 = arith.index_cast %add3A_1061 : i32 to index
          %get3A_1104 = tpu.vector_load %arg11[%get3A_1103] {strides = array<i32>} : memref<5136xf32, #tpu.memory_space<vmem>>, vector<16xf32>,
          %max3A_1105 = arith.maximumf %gather3A_483, %get3A_1063 : vector<16xf32>
          %max3A_1106 = arith.maximumf %gather3A_484, %get3A_1065 : vector<16xf32>
          %min3A_1107 = arith.minimumf %gather3A_485, %get3A_1067 : vector<16xf32>
          %min3A_1108 = arith.minimumf %gather3A_486, %get3A_1069 : vector<16xf32>
          %sub3A_1109 = arith.subf %min3A_1107, %max3A_1105 : vector<16xf32>
          %max3A_1110 = arith.constant 0.000000e+00 : f32
          %max3A_1111 = vector.broadcast %max3A_1110 : f32 to vector<16xf32>
          %max3A_1112 = arith.maximumf %sub3A_1109, %max3A_1111 : vector<16xf32>
          %sub3A_1113 = arith.subf %min3A_1108, %max3A_1106 : vector<16xf32>
          %max3A_1114 = arith.constant 0.000000e+00 : f32
          %max3A_1115 = vector.broadcast %max3A_1114 : f32 to vector<16xf32>
          %max3A_1116 = arith.maximumf %sub3A_1113, %max3A_1115 : vector<16xf32>
          %mul3A_1117 = arith.mulf %max3A_1112, %max3A_1116 : vector<16xf32>
          %add3A_1118 = arith.addf %gather3A_487, %get3A_1071 : vector<16xf32>
          %sub3A_1119 = arith.subf %add3A_1118, %mul3A_1117 : vector<16xf32>
          %add3A_1120 = arith.addf %mul3A_1117, %mul3A_1117 : vector<16xf32>
          %gt3A_1121 = arith.cmpf ogt, %add3A_1120, %sub3A_1119 : vector<16xf32>
          %jit3A_1122 = arith.constant 0xFF800000 : f32
          %broadcast_in_dim3A_1123 = vector.broadcast %jit3A_1122 : f32 to vector<16xf32>
          %select_n3A_1124 = arith.select %gt3A_1121, %broadcast_in_dim3A_1123, %get3A_1104 : vector<16xi1>, vector<16xf32>
          %swap3A_1125 = arith.index_cast %add3A_1061 : i32 to index
          %swap3A_1126 = tpu.vector_load %arg11[%swap3A_1125] {strides = array<i32>} : memref<5136xf32, #tpu.memory_space<vmem>>, vector<16xf32>,
          tpu.vector_store %arg11[%swap3A_1125], %select_n3A_1124 {strides = array<i32>} : memref<5136xf32, #tpu.memory_space<vmem>>, vector<16xf32>,
          %gt3A_1127 = arith.cmpf ogt, %select_n3A_1124, %select_n3A_1031 : vector<16xf32>
          %select_n3A_1128 = arith.select %gt3A_1127, %select_n3A_1124, %select_n3A_1031 : vector<16xi1>, vector<16xf32>
          %select_n3A_1129 = arith.select %gt3A_1127, %add3A_1075, %select_n3A_1032 : vector<16xi1>, vector<16xi32>
          %get3A_1130 = arith.index_cast %add3A_1061 : i32 to index
          %get3A_1131 = tpu.vector_load %arg12[%get3A_1130] {strides = array<i32>} : memref<5136xf32, #tpu.memory_space<vmem>>, vector<16xf32>,
          %max3A_1132 = arith.maximumf %gather3A_497, %get3A_1063 : vector<16xf32>
          %max3A_1133 = arith.maximumf %gather3A_498, %get3A_1065 : vector<16xf32>
          %min3A_1134 = arith.minimumf %gather3A_499, %get3A_1067 : vector<16xf32>
          %min3A_1135 = arith.minimumf %gather3A_500, %get3A_1069 : vector<16xf32>
          %sub3A_1136 = arith.subf %min3A_1134, %max3A_1132 : vector<16xf32>
          %max3A_1137 = arith.constant 0.000000e+00 : f32
          %max3A_1138 = vector.broadcast %max3A_1137 : f32 to vector<16xf32>
          %max3A_1139 = arith.maximumf %sub3A_1136, %max3A_1138 : vector<16xf32>
          %sub3A_1140 = arith.subf %min3A_1135, %max3A_1133 : vector<16xf32>
          %max3A_1141 = arith.constant 0.000000e+00 : f32
          %max3A_1142 = vector.broadcast %max3A_1141 : f32 to vector<16xf32>
          %max3A_1143 = arith.maximumf %sub3A_1140, %max3A_1142 : vector<16xf32>
          %mul3A_1144 = arith.mulf %max3A_1139, %max3A_1143 : vector<16xf32>
          %add3A_1145 = arith.addf %gather3A_501, %get3A_1071 : vector<16xf32>
          %sub3A_1146 = arith.subf %add3A_1145, %mul3A_1144 : vector<16xf32>
          %add3A_1147 = arith.addf %mul3A_1144, %mul3A_1144 : vector<16xf32>
          %gt3A_1148 = arith.cmpf ogt, %add3A_1147, %sub3A_1146 : vector<16xf32>
          %jit3A_1149 = arith.constant 0xFF800000 : f32
          %broadcast_in_dim3A_1150 = vector.broadcast %jit3A_1149 : f32 to vector<16xf32>
          %select_n3A_1151 = arith.select %gt3A_1148, %broadcast_in_dim3A_1150, %get3A_1131 : vector<16xi1>, vector<16xf32>
          %swap3A_1152 = arith.index_cast %add3A_1061 : i32 to index
          %swap3A_1153 = tpu.vector_load %arg12[%swap3A_1152] {strides = array<i32>} : memref<5136xf32, #tpu.memory_space<vmem>>, vector<16xf32>,
          tpu.vector_store %arg12[%swap3A_1152], %select_n3A_1151 {strides = array<i32>} : memref<5136xf32, #tpu.memory_space<vmem>>, vector<16xf32>,
          %gt3A_1154 = arith.cmpf ogt, %select_n3A_1151, %select_n3A_1058 : vector<16xf32>
          %select_n3A_1155 = arith.select %gt3A_1154, %select_n3A_1151, %select_n3A_1058 : vector<16xi1>, vector<16xf32>
          %select_n3A_1156 = arith.select %gt3A_1154, %add3A_1075, %select_n3A_1059 : vector<16xi1>, vector<16xi32>
          scf.yield %select_n3A_1101, %select_n3A_1128, %select_n3A_1155, %select_n3A_1102, %select_n3A_1129, %select_n3A_1156 : vector<16xf32>, vector<16xf32>, vector<16xf32>, vector<16xi32>, vector<16xi32>, vector<16xi32>
        }
        %scan3A_511 = arith.constant 107 : i32
        %xor3A_512 = arith.constant 8 : i32
        %xor3A_513 = vector.broadcast %xor3A_512 : i32 to vector<16xi32>
        %xor3A_514 = arith.xori %iota3A, %xor3A_513 : vector<16xi32>
        %lt3A_515 = arith.constant 0 : i32
        %lt3A_516 = vector.broadcast %lt3A_515 : i32 to vector<16xi32>
        %lt3A_517 = arith.cmpi slt, %xor3A_514, %lt3A_516 : vector<16xi32>
        %add3A_518 = arith.constant 16 : i32
        %add3A_519 = vector.broadcast %add3A_518 : i32 to vector<16xi32>
        %add3A_520 = arith.addi %xor3A_514, %add3A_519 : vector<16xi32>
        %select_n3A_521 = arith.select %lt3A_517, %add3A_520, %xor3A_514 : vector<16xi1>, vector<16xi32>
        %broadcast_in_dim3A_522 = vector.shape_cast %select_n3A_521 : vector<16xi32> to vector<16x1xi32>
        %gather3A_523 = vector.shape_cast %broadcast_in_dim3A_522 : vector<16x1xi32> to vector<16xi32>
        %gather3A_524 = tpu.dynamic_gather %scan3A_510#0[%gather3A_523] in [0] : vector<16xf32>, vector<16xi32> -> vector<16xf32>
        %max3A_525 = arith.maximumf %scan3A_510#0, %gather3A_524 : vector<16xf32>
        %xor3A_526 = arith.constant 4 : i32
        %xor3A_527 = vector.broadcast %xor3A_526 : i32 to vector<16xi32>
        %xor3A_528 = arith.xori %iota3A, %xor3A_527 : vector<16xi32>
        %lt3A_529 = arith.constant 0 : i32
        %lt3A_530 = vector.broadcast %lt3A_529 : i32 to vector<16xi32>
        %lt3A_531 = arith.cmpi slt, %xor3A_528, %lt3A_530 : vector<16xi32>
        %add3A_532 = arith.constant 16 : i32
        %add3A_533 = vector.broadcast %add3A_532 : i32 to vector<16xi32>
        %add3A_534 = arith.addi %xor3A_528, %add3A_533 : vector<16xi32>
        %select_n3A_535 = arith.select %lt3A_531, %add3A_534, %xor3A_528 : vector<16xi1>, vector<16xi32>
        %broadcast_in_dim3A_536 = vector.shape_cast %select_n3A_535 : vector<16xi32> to vector<16x1xi32>
        %gather3A_537 = vector.shape_cast %broadcast_in_dim3A_536 : vector<16x1xi32> to vector<16xi32>
        %gather3A_538 = tpu.dynamic_gather %max3A_525[%gather3A_537] in [0] : vector<16xf32>, vector<16xi32> -> vector<16xf32>
        %max3A_539 = arith.maximumf %max3A_525, %gather3A_538 : vector<16xf32>
        %xor3A_540 = arith.constant 2 : i32
        %xor3A_541 = vector.broadcast %xor3A_540 : i32 to vector<16xi32>
        %xor3A_542 = arith.xori %iota3A, %xor3A_541 : vector<16xi32>
        %lt3A_543 = arith.constant 0 : i32
        %lt3A_544 = vector.broadcast %lt3A_543 : i32 to vector<16xi32>
        %lt3A_545 = arith.cmpi slt, %xor3A_542, %lt3A_544 : vector<16xi32>
        %add3A_546 = arith.constant 16 : i32
        %add3A_547 = vector.broadcast %add3A_546 : i32 to vector<16xi32>
        %add3A_548 = arith.addi %xor3A_542, %add3A_547 : vector<16xi32>
        %select_n3A_549 = arith.select %lt3A_545, %add3A_548, %xor3A_542 : vector<16xi1>, vector<16xi32>
        %broadcast_in_dim3A_550 = vector.shape_cast %select_n3A_549 : vector<16xi32> to vector<16x1xi32>
        %gather3A_551 = vector.shape_cast %broadcast_in_dim3A_550 : vector<16x1xi32> to vector<16xi32>
        %gather3A_552 = tpu.dynamic_gather %max3A_539[%gather3A_551] in [0] : vector<16xf32>, vector<16xi32> -> vector<16xf32>
        %max3A_553 = arith.maximumf %max3A_539, %gather3A_552 : vector<16xf32>
        %xor3A_554 = arith.constant 1 : i32
        %xor3A_555 = vector.broadcast %xor3A_554 : i32 to vector<16xi32>
        %xor3A_556 = arith.xori %iota3A, %xor3A_555 : vector<16xi32>
        %lt3A_557 = arith.constant 0 : i32
        %lt3A_558 = vector.broadcast %lt3A_557 : i32 to vector<16xi32>
        %lt3A_559 = arith.cmpi slt, %xor3A_556, %lt3A_558 : vector<16xi32>
        %add3A_560 = arith.constant 16 : i32
        %add3A_561 = vector.broadcast %add3A_560 : i32 to vector<16xi32>
        %add3A_562 = arith.addi %xor3A_556, %add3A_561 : vector<16xi32>
        %select_n3A_563 = arith.select %lt3A_559, %add3A_562, %xor3A_556 : vector<16xi1>, vector<16xi32>
        %broadcast_in_dim3A_564 = vector.shape_cast %select_n3A_563 : vector<16xi32> to vector<16x1xi32>
        %gather3A_565 = vector.shape_cast %broadcast_in_dim3A_564 : vector<16x1xi32> to vector<16xi32>
        %gather3A_566 = tpu.dynamic_gather %max3A_553[%gather3A_565] in [0] : vector<16xf32>, vector<16xi32> -> vector<16xf32>
        %max3A_567 = arith.maximumf %max3A_553, %gather3A_566 : vector<16xf32>
        %eq3A_568 = arith.cmpf oeq, %scan3A_510#0, %max3A_567 : vector<16xf32>
        %jit3A_569 = arith.constant 2147483647 : i32
        %broadcast_in_dim3A_570 = vector.broadcast %jit3A_569 : i32 to vector<16xi32>
        %select_n3A_571 = arith.select %eq3A_568, %scan3A_510#3, %broadcast_in_dim3A_570 : vector<16xi1>, vector<16xi32>
        %xor3A_572 = arith.constant 8 : i32
        %xor3A_573 = vector.broadcast %xor3A_572 : i32 to vector<16xi32>
        %xor3A_574 = arith.xori %iota3A, %xor3A_573 : vector<16xi32>
        %lt3A_575 = arith.constant 0 : i32
        %lt3A_576 = vector.broadcast %lt3A_575 : i32 to vector<16xi32>
        %lt3A_577 = arith.cmpi slt, %xor3A_574, %lt3A_576 : vector<16xi32>
        %add3A_578 = arith.constant 16 : i32
        %add3A_579 = vector.broadcast %add3A_578 : i32 to vector<16xi32>
        %add3A_580 = arith.addi %xor3A_574, %add3A_579 : vector<16xi32>
        %select_n3A_581 = arith.select %lt3A_577, %add3A_580, %xor3A_574 : vector<16xi1>, vector<16xi32>
        %broadcast_in_dim3A_582 = vector.shape_cast %select_n3A_581 : vector<16xi32> to vector<16x1xi32>
        %gather3A_583 = vector.shape_cast %broadcast_in_dim3A_582 : vector<16x1xi32> to vector<16xi32>
        %gather3A_584 = tpu.dynamic_gather %select_n3A_571[%gather3A_583] in [0] : vector<16xi32>, vector<16xi32> -> vector<16xi32>
        %min3A_585 = arith.minsi %select_n3A_571, %gather3A_584 : vector<16xi32>
        %xor3A_586 = arith.constant 4 : i32
        %xor3A_587 = vector.broadcast %xor3A_586 : i32 to vector<16xi32>
        %xor3A_588 = arith.xori %iota3A, %xor3A_587 : vector<16xi32>
        %lt3A_589 = arith.constant 0 : i32
        %lt3A_590 = vector.broadcast %lt3A_589 : i32 to vector<16xi32>
        %lt3A_591 = arith.cmpi slt, %xor3A_588, %lt3A_590 : vector<16xi32>
        %add3A_592 = arith.constant 16 : i32
        %add3A_593 = vector.broadcast %add3A_592 : i32 to vector<16xi32>
        %add3A_594 = arith.addi %xor3A_588, %add3A_593 : vector<16xi32>
        %select_n3A_595 = arith.select %lt3A_591, %add3A_594, %xor3A_588 : vector<16xi1>, vector<16xi32>
        %broadcast_in_dim3A_596 = vector.shape_cast %select_n3A_595 : vector<16xi32> to vector<16x1xi32>
        %gather3A_597 = vector.shape_cast %broadcast_in_dim3A_596 : vector<16x1xi32> to vector<16xi32>
        %gather3A_598 = tpu.dynamic_gather %min3A_585[%gather3A_597] in [0] : vector<16xi32>, vector<16xi32> -> vector<16xi32>
        %min3A_599 = arith.minsi %min3A_585, %gather3A_598 : vector<16xi32>
        %xor3A_600 = arith.constant 2 : i32
        %xor3A_601 = vector.broadcast %xor3A_600 : i32 to vector<16xi32>
        %xor3A_602 = arith.xori %iota3A, %xor3A_601 : vector<16xi32>
        %lt3A_603 = arith.constant 0 : i32
        %lt3A_604 = vector.broadcast %lt3A_603 : i32 to vector<16xi32>
        %lt3A_605 = arith.cmpi slt, %xor3A_602, %lt3A_604 : vector<16xi32>
        %add3A_606 = arith.constant 16 : i32
        %add3A_607 = vector.broadcast %add3A_606 : i32 to vector<16xi32>
        %add3A_608 = arith.addi %xor3A_602, %add3A_607 : vector<16xi32>
        %select_n3A_609 = arith.select %lt3A_605, %add3A_608, %xor3A_602 : vector<16xi1>, vector<16xi32>
        %broadcast_in_dim3A_610 = vector.shape_cast %select_n3A_609 : vector<16xi32> to vector<16x1xi32>
        %gather3A_611 = vector.shape_cast %broadcast_in_dim3A_610 : vector<16x1xi32> to vector<16xi32>
        %gather3A_612 = tpu.dynamic_gather %min3A_599[%gather3A_611] in [0] : vector<16xi32>, vector<16xi32> -> vector<16xi32>
        %min3A_613 = arith.minsi %min3A_599, %gather3A_612 : vector<16xi32>
        %xor3A_614 = arith.constant 1 : i32
        %xor3A_615 = vector.broadcast %xor3A_614 : i32 to vector<16xi32>
        %xor3A_616 = arith.xori %iota3A, %xor3A_615 : vector<16xi32>
        %lt3A_617 = arith.constant 0 : i32
        %lt3A_618 = vector.broadcast %lt3A_617 : i32 to vector<16xi32>
        %lt3A_619 = arith.cmpi slt, %xor3A_616, %lt3A_618 : vector<16xi32>
        %add3A_620 = arith.constant 16 : i32
        %add3A_621 = vector.broadcast %add3A_620 : i32 to vector<16xi32>
        %add3A_622 = arith.addi %xor3A_616, %add3A_621 : vector<16xi32>
        %select_n3A_623 = arith.select %lt3A_619, %add3A_622, %xor3A_616 : vector<16xi1>, vector<16xi32>
        %broadcast_in_dim3A_624 = vector.shape_cast %select_n3A_623 : vector<16xi32> to vector<16x1xi32>
        %gather3A_625 = vector.shape_cast %broadcast_in_dim3A_624 : vector<16x1xi32> to vector<16xi32>
        %gather3A_626 = tpu.dynamic_gather %min3A_613[%gather3A_625] in [0] : vector<16xi32>, vector<16xi32> -> vector<16xi32>
        %min3A_627 = arith.minsi %min3A_613, %gather3A_626 : vector<16xi32>
        %xor3A_628 = arith.constant 8 : i32
        %xor3A_629 = vector.broadcast %xor3A_628 : i32 to vector<16xi32>
        %xor3A_630 = arith.xori %iota3A, %xor3A_629 : vector<16xi32>
        %lt3A_631 = arith.constant 0 : i32
        %lt3A_632 = vector.broadcast %lt3A_631 : i32 to vector<16xi32>
        %lt3A_633 = arith.cmpi slt, %xor3A_630, %lt3A_632 : vector<16xi32>
        %add3A_634 = arith.constant 16 : i32
        %add3A_635 = vector.broadcast %add3A_634 : i32 to vector<16xi32>
        %add3A_636 = arith.addi %xor3A_630, %add3A_635 : vector<16xi32>
        %select_n3A_637 = arith.select %lt3A_633, %add3A_636, %xor3A_630 : vector<16xi1>, vector<16xi32>
        %broadcast_in_dim3A_638 = vector.shape_cast %select_n3A_637 : vector<16xi32> to vector<16x1xi32>
        %gather3A_639 = vector.shape_cast %broadcast_in_dim3A_638 : vector<16x1xi32> to vector<16xi32>
        %gather3A_640 = tpu.dynamic_gather %scan3A_510#1[%gather3A_639] in [0] : vector<16xf32>, vector<16xi32> -> vector<16xf32>
        %max3A_641 = arith.maximumf %scan3A_510#1, %gather3A_640 : vector<16xf32>
        %xor3A_642 = arith.constant 4 : i32
        %xor3A_643 = vector.broadcast %xor3A_642 : i32 to vector<16xi32>
        %xor3A_644 = arith.xori %iota3A, %xor3A_643 : vector<16xi32>
        %lt3A_645 = arith.constant 0 : i32
        %lt3A_646 = vector.broadcast %lt3A_645 : i32 to vector<16xi32>
        %lt3A_647 = arith.cmpi slt, %xor3A_644, %lt3A_646 : vector<16xi32>
        %add3A_648 = arith.constant 16 : i32
        %add3A_649 = vector.broadcast %add3A_648 : i32 to vector<16xi32>
        %add3A_650 = arith.addi %xor3A_644, %add3A_649 : vector<16xi32>
        %select_n3A_651 = arith.select %lt3A_647, %add3A_650, %xor3A_644 : vector<16xi1>, vector<16xi32>
        %broadcast_in_dim3A_652 = vector.shape_cast %select_n3A_651 : vector<16xi32> to vector<16x1xi32>
        %gather3A_653 = vector.shape_cast %broadcast_in_dim3A_652 : vector<16x1xi32> to vector<16xi32>
        %gather3A_654 = tpu.dynamic_gather %max3A_641[%gather3A_653] in [0] : vector<16xf32>, vector<16xi32> -> vector<16xf32>
        %max3A_655 = arith.maximumf %max3A_641, %gather3A_654 : vector<16xf32>
        %xor3A_656 = arith.constant 2 : i32
        %xor3A_657 = vector.broadcast %xor3A_656 : i32 to vector<16xi32>
        %xor3A_658 = arith.xori %iota3A, %xor3A_657 : vector<16xi32>
        %lt3A_659 = arith.constant 0 : i32
        %lt3A_660 = vector.broadcast %lt3A_659 : i32 to vector<16xi32>
        %lt3A_661 = arith.cmpi slt, %xor3A_658, %lt3A_660 : vector<16xi32>
        %add3A_662 = arith.constant 16 : i32
        %add3A_663 = vector.broadcast %add3A_662 : i32 to vector<16xi32>
        %add3A_664 = arith.addi %xor3A_658, %add3A_663 : vector<16xi32>
        %select_n3A_665 = arith.select %lt3A_661, %add3A_664, %xor3A_658 : vector<16xi1>, vector<16xi32>
        %broadcast_in_dim3A_666 = vector.shape_cast %select_n3A_665 : vector<16xi32> to vector<16x1xi32>
        %gather3A_667 = vector.shape_cast %broadcast_in_dim3A_666 : vector<16x1xi32> to vector<16xi32>
        %gather3A_668 = tpu.dynamic_gather %max3A_655[%gather3A_667] in [0] : vector<16xf32>, vector<16xi32> -> vector<16xf32>
        %max3A_669 = arith.maximumf %max3A_655, %gather3A_668 : vector<16xf32>
        %xor3A_670 = arith.constant 1 : i32
        %xor3A_671 = vector.broadcast %xor3A_670 : i32 to vector<16xi32>
        %xor3A_672 = arith.xori %iota3A, %xor3A_671 : vector<16xi32>
        %lt3A_673 = arith.constant 0 : i32
        %lt3A_674 = vector.broadcast %lt3A_673 : i32 to vector<16xi32>
        %lt3A_675 = arith.cmpi slt, %xor3A_672, %lt3A_674 : vector<16xi32>
        %add3A_676 = arith.constant 16 : i32
        %add3A_677 = vector.broadcast %add3A_676 : i32 to vector<16xi32>
        %add3A_678 = arith.addi %xor3A_672, %add3A_677 : vector<16xi32>
        %select_n3A_679 = arith.select %lt3A_675, %add3A_678, %xor3A_672 : vector<16xi1>, vector<16xi32>
        %broadcast_in_dim3A_680 = vector.shape_cast %select_n3A_679 : vector<16xi32> to vector<16x1xi32>
        %gather3A_681 = vector.shape_cast %broadcast_in_dim3A_680 : vector<16x1xi32> to vector<16xi32>
        %gather3A_682 = tpu.dynamic_gather %max3A_669[%gather3A_681] in [0] : vector<16xf32>, vector<16xi32> -> vector<16xf32>
        %max3A_683 = arith.maximumf %max3A_669, %gather3A_682 : vector<16xf32>
        %eq3A_684 = arith.cmpf oeq, %scan3A_510#1, %max3A_683 : vector<16xf32>
        %jit3A_685 = arith.constant 2147483647 : i32
        %broadcast_in_dim3A_686 = vector.broadcast %jit3A_685 : i32 to vector<16xi32>
        %select_n3A_687 = arith.select %eq3A_684, %scan3A_510#4, %broadcast_in_dim3A_686 : vector<16xi1>, vector<16xi32>
        %xor3A_688 = arith.constant 8 : i32
        %xor3A_689 = vector.broadcast %xor3A_688 : i32 to vector<16xi32>
        %xor3A_690 = arith.xori %iota3A, %xor3A_689 : vector<16xi32>
        %lt3A_691 = arith.constant 0 : i32
        %lt3A_692 = vector.broadcast %lt3A_691 : i32 to vector<16xi32>
        %lt3A_693 = arith.cmpi slt, %xor3A_690, %lt3A_692 : vector<16xi32>
        %add3A_694 = arith.constant 16 : i32
        %add3A_695 = vector.broadcast %add3A_694 : i32 to vector<16xi32>
        %add3A_696 = arith.addi %xor3A_690, %add3A_695 : vector<16xi32>
        %select_n3A_697 = arith.select %lt3A_693, %add3A_696, %xor3A_690 : vector<16xi1>, vector<16xi32>
        %broadcast_in_dim3A_698 = vector.shape_cast %select_n3A_697 : vector<16xi32> to vector<16x1xi32>
        %gather3A_699 = vector.shape_cast %broadcast_in_dim3A_698 : vector<16x1xi32> to vector<16xi32>
        %gather3A_700 = tpu.dynamic_gather %select_n3A_687[%gather3A_699] in [0] : vector<16xi32>, vector<16xi32> -> vector<16xi32>
        %min3A_701 = arith.minsi %select_n3A_687, %gather3A_700 : vector<16xi32>
        %xor3A_702 = arith.constant 4 : i32
        %xor3A_703 = vector.broadcast %xor3A_702 : i32 to vector<16xi32>
        %xor3A_704 = arith.xori %iota3A, %xor3A_703 : vector<16xi32>
        %lt3A_705 = arith.constant 0 : i32
        %lt3A_706 = vector.broadcast %lt3A_705 : i32 to vector<16xi32>
        %lt3A_707 = arith.cmpi slt, %xor3A_704, %lt3A_706 : vector<16xi32>
        %add3A_708 = arith.constant 16 : i32
        %add3A_709 = vector.broadcast %add3A_708 : i32 to vector<16xi32>
        %add3A_710 = arith.addi %xor3A_704, %add3A_709 : vector<16xi32>
        %select_n3A_711 = arith.select %lt3A_707, %add3A_710, %xor3A_704 : vector<16xi1>, vector<16xi32>
        %broadcast_in_dim3A_712 = vector.shape_cast %select_n3A_711 : vector<16xi32> to vector<16x1xi32>
        %gather3A_713 = vector.shape_cast %broadcast_in_dim3A_712 : vector<16x1xi32> to vector<16xi32>
        %gather3A_714 = tpu.dynamic_gather %min3A_701[%gather3A_713] in [0] : vector<16xi32>, vector<16xi32> -> vector<16xi32>
        %min3A_715 = arith.minsi %min3A_701, %gather3A_714 : vector<16xi32>
        %xor3A_716 = arith.constant 2 : i32
        %xor3A_717 = vector.broadcast %xor3A_716 : i32 to vector<16xi32>
        %xor3A_718 = arith.xori %iota3A, %xor3A_717 : vector<16xi32>
        %lt3A_719 = arith.constant 0 : i32
        %lt3A_720 = vector.broadcast %lt3A_719 : i32 to vector<16xi32>
        %lt3A_721 = arith.cmpi slt, %xor3A_718, %lt3A_720 : vector<16xi32>
        %add3A_722 = arith.constant 16 : i32
        %add3A_723 = vector.broadcast %add3A_722 : i32 to vector<16xi32>
        %add3A_724 = arith.addi %xor3A_718, %add3A_723 : vector<16xi32>
        %select_n3A_725 = arith.select %lt3A_721, %add3A_724, %xor3A_718 : vector<16xi1>, vector<16xi32>
        %broadcast_in_dim3A_726 = vector.shape_cast %select_n3A_725 : vector<16xi32> to vector<16x1xi32>
        %gather3A_727 = vector.shape_cast %broadcast_in_dim3A_726 : vector<16x1xi32> to vector<16xi32>
        %gather3A_728 = tpu.dynamic_gather %min3A_715[%gather3A_727] in [0] : vector<16xi32>, vector<16xi32> -> vector<16xi32>
        %min3A_729 = arith.minsi %min3A_715, %gather3A_728 : vector<16xi32>
        %xor3A_730 = arith.constant 1 : i32
        %xor3A_731 = vector.broadcast %xor3A_730 : i32 to vector<16xi32>
        %xor3A_732 = arith.xori %iota3A, %xor3A_731 : vector<16xi32>
        %lt3A_733 = arith.constant 0 : i32
        %lt3A_734 = vector.broadcast %lt3A_733 : i32 to vector<16xi32>
        %lt3A_735 = arith.cmpi slt, %xor3A_732, %lt3A_734 : vector<16xi32>
        %add3A_736 = arith.constant 16 : i32
        %add3A_737 = vector.broadcast %add3A_736 : i32 to vector<16xi32>
        %add3A_738 = arith.addi %xor3A_732, %add3A_737 : vector<16xi32>
        %select_n3A_739 = arith.select %lt3A_735, %add3A_738, %xor3A_732 : vector<16xi1>, vector<16xi32>
        %broadcast_in_dim3A_740 = vector.shape_cast %select_n3A_739 : vector<16xi32> to vector<16x1xi32>
        %gather3A_741 = vector.shape_cast %broadcast_in_dim3A_740 : vector<16x1xi32> to vector<16xi32>
        %gather3A_742 = tpu.dynamic_gather %min3A_729[%gather3A_741] in [0] : vector<16xi32>, vector<16xi32> -> vector<16xi32>
        %min3A_743 = arith.minsi %min3A_729, %gather3A_742 : vector<16xi32>
        %xor3A_744 = arith.constant 8 : i32
        %xor3A_745 = vector.broadcast %xor3A_744 : i32 to vector<16xi32>
        %xor3A_746 = arith.xori %iota3A, %xor3A_745 : vector<16xi32>
        %lt3A_747 = arith.constant 0 : i32
        %lt3A_748 = vector.broadcast %lt3A_747 : i32 to vector<16xi32>
        %lt3A_749 = arith.cmpi slt, %xor3A_746, %lt3A_748 : vector<16xi32>
        %add3A_750 = arith.constant 16 : i32
        %add3A_751 = vector.broadcast %add3A_750 : i32 to vector<16xi32>
        %add3A_752 = arith.addi %xor3A_746, %add3A_751 : vector<16xi32>
        %select_n3A_753 = arith.select %lt3A_749, %add3A_752, %xor3A_746 : vector<16xi1>, vector<16xi32>
        %broadcast_in_dim3A_754 = vector.shape_cast %select_n3A_753 : vector<16xi32> to vector<16x1xi32>
        %gather3A_755 = vector.shape_cast %broadcast_in_dim3A_754 : vector<16x1xi32> to vector<16xi32>
        %gather3A_756 = tpu.dynamic_gather %scan3A_510#2[%gather3A_755] in [0] : vector<16xf32>, vector<16xi32> -> vector<16xf32>
        %max3A_757 = arith.maximumf %scan3A_510#2, %gather3A_756 : vector<16xf32>
        %xor3A_758 = arith.constant 4 : i32
        %xor3A_759 = vector.broadcast %xor3A_758 : i32 to vector<16xi32>
        %xor3A_760 = arith.xori %iota3A, %xor3A_759 : vector<16xi32>
        %lt3A_761 = arith.constant 0 : i32
        %lt3A_762 = vector.broadcast %lt3A_761 : i32 to vector<16xi32>
        %lt3A_763 = arith.cmpi slt, %xor3A_760, %lt3A_762 : vector<16xi32>
        %add3A_764 = arith.constant 16 : i32
        %add3A_765 = vector.broadcast %add3A_764 : i32 to vector<16xi32>
        %add3A_766 = arith.addi %xor3A_760, %add3A_765 : vector<16xi32>
        %select_n3A_767 = arith.select %lt3A_763, %add3A_766, %xor3A_760 : vector<16xi1>, vector<16xi32>
        %broadcast_in_dim3A_768 = vector.shape_cast %select_n3A_767 : vector<16xi32> to vector<16x1xi32>
        %gather3A_769 = vector.shape_cast %broadcast_in_dim3A_768 : vector<16x1xi32> to vector<16xi32>
        %gather3A_770 = tpu.dynamic_gather %max3A_757[%gather3A_769] in [0] : vector<16xf32>, vector<16xi32> -> vector<16xf32>
        %max3A_771 = arith.maximumf %max3A_757, %gather3A_770 : vector<16xf32>
        %xor3A_772 = arith.constant 2 : i32
        %xor3A_773 = vector.broadcast %xor3A_772 : i32 to vector<16xi32>
        %xor3A_774 = arith.xori %iota3A, %xor3A_773 : vector<16xi32>
        %lt3A_775 = arith.constant 0 : i32
        %lt3A_776 = vector.broadcast %lt3A_775 : i32 to vector<16xi32>
        %lt3A_777 = arith.cmpi slt, %xor3A_774, %lt3A_776 : vector<16xi32>
        %add3A_778 = arith.constant 16 : i32
        %add3A_779 = vector.broadcast %add3A_778 : i32 to vector<16xi32>
        %add3A_780 = arith.addi %xor3A_774, %add3A_779 : vector<16xi32>
        %select_n3A_781 = arith.select %lt3A_777, %add3A_780, %xor3A_774 : vector<16xi1>, vector<16xi32>
        %broadcast_in_dim3A_782 = vector.shape_cast %select_n3A_781 : vector<16xi32> to vector<16x1xi32>
        %gather3A_783 = vector.shape_cast %broadcast_in_dim3A_782 : vector<16x1xi32> to vector<16xi32>
        %gather3A_784 = tpu.dynamic_gather %max3A_771[%gather3A_783] in [0] : vector<16xf32>, vector<16xi32> -> vector<16xf32>
        %max3A_785 = arith.maximumf %max3A_771, %gather3A_784 : vector<16xf32>
        %xor3A_786 = arith.constant 1 : i32
        %xor3A_787 = vector.broadcast %xor3A_786 : i32 to vector<16xi32>
        %xor3A_788 = arith.xori %iota3A, %xor3A_787 : vector<16xi32>
        %lt3A_789 = arith.constant 0 : i32
        %lt3A_790 = vector.broadcast %lt3A_789 : i32 to vector<16xi32>
        %lt3A_791 = arith.cmpi slt, %xor3A_788, %lt3A_790 : vector<16xi32>
        %add3A_792 = arith.constant 16 : i32
        %add3A_793 = vector.broadcast %add3A_792 : i32 to vector<16xi32>
        %add3A_794 = arith.addi %xor3A_788, %add3A_793 : vector<16xi32>
        %select_n3A_795 = arith.select %lt3A_791, %add3A_794, %xor3A_788 : vector<16xi1>, vector<16xi32>
        %broadcast_in_dim3A_796 = vector.shape_cast %select_n3A_795 : vector<16xi32> to vector<16x1xi32>
        %gather3A_797 = vector.shape_cast %broadcast_in_dim3A_796 : vector<16x1xi32> to vector<16xi32>
        %gather3A_798 = tpu.dynamic_gather %max3A_785[%gather3A_797] in [0] : vector<16xf32>, vector<16xi32> -> vector<16xf32>
        %max3A_799 = arith.maximumf %max3A_785, %gather3A_798 : vector<16xf32>
        %eq3A_800 = arith.cmpf oeq, %scan3A_510#2, %max3A_799 : vector<16xf32>
        %jit3A_801 = arith.constant 2147483647 : i32
        %broadcast_in_dim3A_802 = vector.broadcast %jit3A_801 : i32 to vector<16xi32>
        %select_n3A_803 = arith.select %eq3A_800, %scan3A_510#5, %broadcast_in_dim3A_802 : vector<16xi1>, vector<16xi32>
        %xor3A_804 = arith.constant 8 : i32
        %xor3A_805 = vector.broadcast %xor3A_804 : i32 to vector<16xi32>
        %xor3A_806 = arith.xori %iota3A, %xor3A_805 : vector<16xi32>
        %lt3A_807 = arith.constant 0 : i32
        %lt3A_808 = vector.broadcast %lt3A_807 : i32 to vector<16xi32>
        %lt3A_809 = arith.cmpi slt, %xor3A_806, %lt3A_808 : vector<16xi32>
        %add3A_810 = arith.constant 16 : i32
        %add3A_811 = vector.broadcast %add3A_810 : i32 to vector<16xi32>
        %add3A_812 = arith.addi %xor3A_806, %add3A_811 : vector<16xi32>
        %select_n3A_813 = arith.select %lt3A_809, %add3A_812, %xor3A_806 : vector<16xi1>, vector<16xi32>
        %broadcast_in_dim3A_814 = vector.shape_cast %select_n3A_813 : vector<16xi32> to vector<16x1xi32>
        %gather3A_815 = vector.shape_cast %broadcast_in_dim3A_814 : vector<16x1xi32> to vector<16xi32>
        %gather3A_816 = tpu.dynamic_gather %select_n3A_803[%gather3A_815] in [0] : vector<16xi32>, vector<16xi32> -> vector<16xi32>
        %min3A_817 = arith.minsi %select_n3A_803, %gather3A_816 : vector<16xi32>
        %xor3A_818 = arith.constant 4 : i32
        %xor3A_819 = vector.broadcast %xor3A_818 : i32 to vector<16xi32>
        %xor3A_820 = arith.xori %iota3A, %xor3A_819 : vector<16xi32>
        %lt3A_821 = arith.constant 0 : i32
        %lt3A_822 = vector.broadcast %lt3A_821 : i32 to vector<16xi32>
        %lt3A_823 = arith.cmpi slt, %xor3A_820, %lt3A_822 : vector<16xi32>
        %add3A_824 = arith.constant 16 : i32
        %add3A_825 = vector.broadcast %add3A_824 : i32 to vector<16xi32>
        %add3A_826 = arith.addi %xor3A_820, %add3A_825 : vector<16xi32>
        %select_n3A_827 = arith.select %lt3A_823, %add3A_826, %xor3A_820 : vector<16xi1>, vector<16xi32>
        %broadcast_in_dim3A_828 = vector.shape_cast %select_n3A_827 : vector<16xi32> to vector<16x1xi32>
        %gather3A_829 = vector.shape_cast %broadcast_in_dim3A_828 : vector<16x1xi32> to vector<16xi32>
        %gather3A_830 = tpu.dynamic_gather %min3A_817[%gather3A_829] in [0] : vector<16xi32>, vector<16xi32> -> vector<16xi32>
        %min3A_831 = arith.minsi %min3A_817, %gather3A_830 : vector<16xi32>
        %xor3A_832 = arith.constant 2 : i32
        %xor3A_833 = vector.broadcast %xor3A_832 : i32 to vector<16xi32>
        %xor3A_834 = arith.xori %iota3A, %xor3A_833 : vector<16xi32>
        %lt3A_835 = arith.constant 0 : i32
        %lt3A_836 = vector.broadcast %lt3A_835 : i32 to vector<16xi32>
        %lt3A_837 = arith.cmpi slt, %xor3A_834, %lt3A_836 : vector<16xi32>
        %add3A_838 = arith.constant 16 : i32
        %add3A_839 = vector.broadcast %add3A_838 : i32 to vector<16xi32>
        %add3A_840 = arith.addi %xor3A_834, %add3A_839 : vector<16xi32>
        %select_n3A_841 = arith.select %lt3A_837, %add3A_840, %xor3A_834 : vector<16xi1>, vector<16xi32>
        %broadcast_in_dim3A_842 = vector.shape_cast %select_n3A_841 : vector<16xi32> to vector<16x1xi32>
        %gather3A_843 = vector.shape_cast %broadcast_in_dim3A_842 : vector<16x1xi32> to vector<16xi32>
        %gather3A_844 = tpu.dynamic_gather %min3A_831[%gather3A_843] in [0] : vector<16xi32>, vector<16xi32> -> vector<16xi32>
        %min3A_845 = arith.minsi %min3A_831, %gather3A_844 : vector<16xi32>
        %xor3A_846 = arith.constant 1 : i32
        %xor3A_847 = vector.broadcast %xor3A_846 : i32 to vector<16xi32>
        %xor3A_848 = arith.xori %iota3A, %xor3A_847 : vector<16xi32>
        %lt3A_849 = arith.constant 0 : i32
        %lt3A_850 = vector.broadcast %lt3A_849 : i32 to vector<16xi32>
        %lt3A_851 = arith.cmpi slt, %xor3A_848, %lt3A_850 : vector<16xi32>
        %add3A_852 = arith.constant 16 : i32
        %add3A_853 = vector.broadcast %add3A_852 : i32 to vector<16xi32>
        %add3A_854 = arith.addi %xor3A_848, %add3A_853 : vector<16xi32>
        %select_n3A_855 = arith.select %lt3A_851, %add3A_854, %xor3A_848 : vector<16xi1>, vector<16xi32>
        %broadcast_in_dim3A_856 = vector.shape_cast %select_n3A_855 : vector<16xi32> to vector<16x1xi32>
        %gather3A_857 = vector.shape_cast %broadcast_in_dim3A_856 : vector<16x1xi32> to vector<16xi32>
        %gather3A_858 = tpu.dynamic_gather %min3A_845[%gather3A_857] in [0] : vector<16xi32>, vector<16xi32> -> vector<16xi32>
        %min3A_859 = arith.minsi %min3A_845, %gather3A_858 : vector<16xi32>
        scf.yield %max3A_567, %max3A_683, %max3A_799, %min3A_627, %min3A_743, %min3A_859, %add3A_468, %add3A_482, %add3A_496 : vector<16xf32>, vector<16xf32>, vector<16xf32>, vector<16xi32>, vector<16xi32>, vector<16xi32>, vector<16xi32>, vector<16xi32>, vector<16xi32>
      }
      %scan3A_429 = arith.constant 100 : i32
      %swap3A_430 = arith.constant 112 : index
      %swap3A_431 = tpu.vector_load %arg13[%swap3A_430] {strides = array<i32>} : memref<128xi32, #tpu.memory_space<vmem>>, vector<16xi32>,
      tpu.vector_store %arg13[%swap3A_430], %scan3A_428#6 {strides = array<i32>} : memref<128xi32, #tpu.memory_space<vmem>>, vector<16xi32>,
      %lt3A_432 = arith.constant 80 : i32
      %lt3A_433 = arith.cmpi slt, %add3A_9, %lt3A_432 : i32
      %convert_element_type3A_434 = arith.extui %lt3A_433 : i1 to i32
      %cond3A_435 = arith.constant 0 : i32
      %cond3A_436 = arith.cmpi ne, %convert_element_type3A_434, %cond3A_435 : i32
      scf.if %cond3A_436 {
        "tpu.region"() ({
          %run_scoped3A_451 = tpu.sem_alloc : memref<!tpu.dma_semaphore, #tpu.memory_space<semaphore_mem>>
          %dma_start3A = arith.constant 0 : i32
          %dma_start3A_452 = tpu.memref_slice %arg4[%add3A_9, %dma_start3A] : memref<80x128xi32, #tpu.memory_space<hbm>> -> memref<1x128xi32, #tpu.memory_space<hbm>>
          %dma_start3A_453 = tpu.memref_squeeze %dma_start3A_452 : memref<1x128xi32, #tpu.memory_space<hbm>> -> memref<128xi32, #tpu.memory_space<hbm>>
          %dma_start3A_454 = arith.constant 0 : i32
          %dma_start3A_455 = tpu.memref_slice %arg4[%add3A_9, %dma_start3A_454] : memref<80x128xi32, #tpu.memory_space<hbm>> -> memref<1x128xi32, #tpu.memory_space<hbm>>
          %dma_start3A_456 = tpu.memref_squeeze %dma_start3A_455 : memref<1x128xi32, #tpu.memory_space<hbm>> -> memref<128xi32, #tpu.memory_space<hbm>>
          tpu.enqueue_dma source(%arg13 : memref<128xi32, #tpu.memory_space<vmem>>) target(%dma_start3A_456 : memref<128xi32, #tpu.memory_space<hbm>>) target_semaphore(%run_scoped3A_451 : memref<!tpu.dma_semaphore, #tpu.memory_space<semaphore_mem>>)
          %dma_wait3A = arith.constant 0 : i32
          %dma_wait3A_457 = tpu.memref_slice %arg4[%add3A_9, %dma_wait3A] : memref<80x128xi32, #tpu.memory_space<hbm>> -> memref<1x128xi32, #tpu.memory_space<hbm>>
          %dma_wait3A_458 = tpu.memref_squeeze %dma_wait3A_457 : memref<1x128xi32, #tpu.memory_space<hbm>> -> memref<128xi32, #tpu.memory_space<hbm>>
          %dma_wait3A_459 = arith.constant 0 : i32
          %dma_wait3A_460 = tpu.memref_slice %arg4[%add3A_9, %dma_wait3A_459] : memref<80x128xi32, #tpu.memory_space<hbm>> -> memref<1x128xi32, #tpu.memory_space<hbm>>
          %dma_wait3A_461 = tpu.memref_squeeze %dma_wait3A_460 : memref<1x128xi32, #tpu.memory_space<hbm>> -> memref<128xi32, #tpu.memory_space<hbm>>
          tpu.wait_dma2 semaphore(%run_scoped3A_451 : memref<!tpu.dma_semaphore, #tpu.memory_space<semaphore_mem>>) src(%arg13 : memref<128xi32, #tpu.memory_space<vmem>>) dst(%dma_wait3A_461 : memref<128xi32, #tpu.memory_space<hbm>>)
          tpu.yield
        }) : () -> ()
      } else {
      }
      %swap3A_437 = arith.constant 112 : index
      %swap3A_438 = tpu.vector_load %arg14[%swap3A_437] {strides = array<i32>} : memref<128xi32, #tpu.memory_space<vmem>>, vector<16xi32>,
      tpu.vector_store %arg14[%swap3A_437], %scan3A_428#7 {strides = array<i32>} : memref<128xi32, #tpu.memory_space<vmem>>, vector<16xi32>,
      %lt3A_439 = arith.constant 80 : i32
      %lt3A_440 = arith.cmpi slt, %add3A_13, %lt3A_439 : i32
      %convert_element_type3A_441 = arith.extui %lt3A_440 : i1 to i32
      %cond3A_442 = arith.constant 0 : i32
      %cond3A_443 = arith.cmpi ne, %convert_element_type3A_441, %cond3A_442 : i32
      scf.if %cond3A_443 {
        "tpu.region"() ({
          %run_scoped3A_451 = tpu.sem_alloc : memref<!tpu.dma_semaphore, #tpu.memory_space<semaphore_mem>>
          %dma_start3A = arith.constant 0 : i32
          %dma_start3A_452 = tpu.memref_slice %arg4[%add3A_13, %dma_start3A] : memref<80x128xi32, #tpu.memory_space<hbm>> -> memref<1x128xi32, #tpu.memory_space<hbm>>
          %dma_start3A_453 = tpu.memref_squeeze %dma_start3A_452 : memref<1x128xi32, #tpu.memory_space<hbm>> -> memref<128xi32, #tpu.memory_space<hbm>>
          %dma_start3A_454 = arith.constant 0 : i32
          %dma_start3A_455 = tpu.memref_slice %arg4[%add3A_13, %dma_start3A_454] : memref<80x128xi32, #tpu.memory_space<hbm>> -> memref<1x128xi32, #tpu.memory_space<hbm>>
          %dma_start3A_456 = tpu.memref_squeeze %dma_start3A_455 : memref<1x128xi32, #tpu.memory_space<hbm>> -> memref<128xi32, #tpu.memory_space<hbm>>
          tpu.enqueue_dma source(%arg14 : memref<128xi32, #tpu.memory_space<vmem>>) target(%dma_start3A_456 : memref<128xi32, #tpu.memory_space<hbm>>) target_semaphore(%run_scoped3A_451 : memref<!tpu.dma_semaphore, #tpu.memory_space<semaphore_mem>>)
          %dma_wait3A = arith.constant 0 : i32
          %dma_wait3A_457 = tpu.memref_slice %arg4[%add3A_13, %dma_wait3A] : memref<80x128xi32, #tpu.memory_space<hbm>> -> memref<1x128xi32, #tpu.memory_space<hbm>>
          %dma_wait3A_458 = tpu.memref_squeeze %dma_wait3A_457 : memref<1x128xi32, #tpu.memory_space<hbm>> -> memref<128xi32, #tpu.memory_space<hbm>>
          %dma_wait3A_459 = arith.constant 0 : i32
          %dma_wait3A_460 = tpu.memref_slice %arg4[%add3A_13, %dma_wait3A_459] : memref<80x128xi32, #tpu.memory_space<hbm>> -> memref<1x128xi32, #tpu.memory_space<hbm>>
          %dma_wait3A_461 = tpu.memref_squeeze %dma_wait3A_460 : memref<1x128xi32, #tpu.memory_space<hbm>> -> memref<128xi32, #tpu.memory_space<hbm>>
          tpu.wait_dma2 semaphore(%run_scoped3A_451 : memref<!tpu.dma_semaphore, #tpu.memory_space<semaphore_mem>>) src(%arg14 : memref<128xi32, #tpu.memory_space<vmem>>) dst(%dma_wait3A_461 : memref<128xi32, #tpu.memory_space<hbm>>)
          tpu.yield
        }) : () -> ()
      } else {
      }
      %swap3A_444 = arith.constant 112 : index
      %swap3A_445 = tpu.vector_load %arg15[%swap3A_444] {strides = array<i32>} : memref<128xi32, #tpu.memory_space<vmem>>, vector<16xi32>,
      tpu.vector_store %arg15[%swap3A_444], %scan3A_428#8 {strides = array<i32>} : memref<128xi32, #tpu.memory_space<vmem>>, vector<16xi32>,
      %lt3A_446 = arith.constant 80 : i32
      %lt3A_447 = arith.cmpi slt, %add3A_17, %lt3A_446 : i32
      %convert_element_type3A_448 = arith.extui %lt3A_447 : i1 to i32
      %cond3A_449 = arith.constant 0 : i32
      %cond3A_450 = arith.cmpi ne, %convert_element_type3A_448, %cond3A_449 : i32
      scf.if %cond3A_450 {
        "tpu.region"() ({
          %run_scoped3A_451 = tpu.sem_alloc : memref<!tpu.dma_semaphore, #tpu.memory_space<semaphore_mem>>
          %dma_start3A = arith.constant 0 : i32
          %dma_start3A_452 = tpu.memref_slice %arg4[%add3A_17, %dma_start3A] : memref<80x128xi32, #tpu.memory_space<hbm>> -> memref<1x128xi32, #tpu.memory_space<hbm>>
          %dma_start3A_453 = tpu.memref_squeeze %dma_start3A_452 : memref<1x128xi32, #tpu.memory_space<hbm>> -> memref<128xi32, #tpu.memory_space<hbm>>
          %dma_start3A_454 = arith.constant 0 : i32
          %dma_start3A_455 = tpu.memref_slice %arg4[%add3A_17, %dma_start3A_454] : memref<80x128xi32, #tpu.memory_space<hbm>> -> memref<1x128xi32, #tpu.memory_space<hbm>>
          %dma_start3A_456 = tpu.memref_squeeze %dma_start3A_455 : memref<1x128xi32, #tpu.memory_space<hbm>> -> memref<128xi32, #tpu.memory_space<hbm>>
          tpu.enqueue_dma source(%arg15 : memref<128xi32, #tpu.memory_space<vmem>>) target(%dma_start3A_456 : memref<128xi32, #tpu.memory_space<hbm>>) target_semaphore(%run_scoped3A_451 : memref<!tpu.dma_semaphore, #tpu.memory_space<semaphore_mem>>)
          %dma_wait3A = arith.constant 0 : i32
          %dma_wait3A_457 = tpu.memref_slice %arg4[%add3A_17, %dma_wait3A] : memref<80x128xi32, #tpu.memory_space<hbm>> -> memref<1x128xi32, #tpu.memory_space<hbm>>
          %dma_wait3A_458 = tpu.memref_squeeze %dma_wait3A_457 : memref<1x128xi32, #tpu.memory_space<hbm>> -> memref<128xi32, #tpu.memory_space<hbm>>
          %dma_wait3A_459 = arith.constant 0 : i32
          %dma_wait3A_460 = tpu.memref_slice %arg4[%add3A_17, %dma_wait3A_459] : memref<80x128xi32, #tpu.memory_space<hbm>> -> memref<1x128xi32, #tpu.memory_space<hbm>>
          %dma_wait3A_461 = tpu.memref_squeeze %dma_wait3A_460 : memref<1x128xi32, #tpu.memory_space<hbm>> -> memref<128xi32, #tpu.memory_space<hbm>>
          tpu.wait_dma2 semaphore(%run_scoped3A_451 : memref<!tpu.dma_semaphore, #tpu.memory_space<semaphore_mem>>) src(%arg15 : memref<128xi32, #tpu.memory_space<vmem>>) dst(%dma_wait3A_461 : memref<128xi32, #tpu.memory_space<hbm>>)
          tpu.yield
        }) : () -> ()
      } else {
      }
    } else {
    }
    return
  }
}

</mosaic_0001>

<sc_bundles>
// kernel: _nms_sc.3.cloned.1.call-start
scs
__scs_entry_jumppad:
0x0: {  	(pc) =	sbr.rel $0x88, $3  }
0x1: {  	(tag) =	ssettag $0x0;
	lr =	simm.s32 $0x1  }
0x2: {  	[smem:$0x3F9F] =	sst lr;
	_ =	strace $0xD0000000  }
0x3: {  	_ = 	snop  }
0x4: {  	_ = 	snop  }
0x5: {  	_ = 	snop  }
0x6: {  	_ = 	snop  }
0x7: {  	_ = 	snop  }
__scs_overlays_trampoline_lowered:
0x8: {  	[smem:$0x3FAE] =	sst s0  }
0x9: {  	[smem:$0x3FAF] =	sst s1  }
0xa: {  	[smem:$0x3FB0] =	sst s2  }
0xb: {  	[smem:$0x3FB1] =	sst s3  }
0xc: {  	[smem:$0x3FB2] =	sst s4  }
0xd: {  	[smem:$0x3FB3] =	sst s5  }
0xe: {  	[smem:$0x3FB4] =	sst s6  }
0xf: {  	[smem:$0x3FB5] =	sst s7  }
0x10: {  	[smem:$0x3FB6] =	sst s8  }
0x11: {  	[smem:$0x3FB7] =	sst s9;
	s0 =	simm.s32 @!p0 $0x0  }
0x12: {  	s1 =	sld [smem:$0x3F9D];
	s0 =	simm.s32 @p0 $0x1  }
0x13: {  	[smem:$0x3FB8] =	sst s0;
	s0 =	simm.s32 @!p1 $0x0  }
0x14: {  	s2 =	sld [smem:$0x3F9C];
	s0 =	simm.s32 @p1 $0x1  }
0x15: {  	[smem:$0x3FB9] =	sst s0;
	s0 =	simm.s32 @!p2 $0x0  }
0x16: {  	s3 =	sld [smem:$0x3FDB];
	s0 =	simm.s32 @p2 $0x1  }
0x17: {  	s4 =	simm.s32 $0x1BF5;
	[smem:$0x3FBB] =	sst s0  }
0x18: {  	s0 =	sld [smem:$0x3F9E];
	_ =	swait.ge [sflag:s4], $0x0  }
0x19: {  	s7 =	sld [smem:$0x3F9F]  }
0x1a: {  	s8 =	sadd.s32 $0xFFFFE003, lr  }
0x1b: {  	s9 =	sadd.s32 $0xFFFFFEF7, lr;
	s5 =	simm.s32 $0xFFFFFFFF;
	p2 =	slt.u32 s8, $0xFFFFF086  }
0x1c: {  	p1 =	slt.u32 s9, $0xF7A;
	s5 =	simm.s32 @!p2 $0x0  }
0x1d: {  	s5 =	simm.s32 @p1 $0x1;
	p0 =	seq.s32 s7, s2  }
0x1e: {  	s7 =	smul.u32 @!p0 $0xF7A, s2;
	p2 =	seq.s32 @!p0 s5, $0x0  }
0x1f: {  	s9 =	smul.u32 $0xF7A, s1;
	s8 =	simm.s32 @!p0 $0x1BF5;
	p2 =	por !p2, p0  }
0x20: {  	[sflag:s8] =	ssyncset.s32 @!p0 $0xFFFFF086;
	s6 =	sadd.s32 @!p0 s3, s7;
	s7 =	simm.s32 @!p0 $0x108  }
0x21: {  	s3 =	sadd.s32 s3, s9;
	s6 =	sadd.s32 @!p0 $0x88, s6;
	s7 =	simm.s32 @p2 $0x1082  }
0x22: {  	[simem:s7], [sflag:s8] =	dma.local @!p0 [hbm:s6], $0xF7A  }
0x23: {  	s9 =	sor.u32 $0xD0000000, s2;
	s6 =	simm.s32 $0x108;
	_ =	swait.ge @!p0 [sflag:s8], $0x0  }
0x24: {  	s3 =	sadd.s32 $0x88, s3;
	s6 =	simm.s32 @!p1 $0x1082;
	[sflag:s4] =	ssyncset.s32 $0xFFFFF086  }
0x25: {  	[simem:s6], [sflag:s4] =	dma.local [hbm:s3], $0xF7A  }
0x26: {  	[smem:$0x3F9F] =	sst s1;
	(tag) =	ssettag s2;
	_ =	strace s9  }
0x27: {  	s1 =	sld [smem:$0x3FAF]  }
0x28: {  	s2 =	sld [smem:$0x3FB0]  }
0x29: {  	s4 =	sld [smem:$0x3FB2]  }
0x2a: {  	p0 =	seq.s32 s5, $0x0;
	s5 =	sld [smem:$0x3FB3]  }
0x2b: {  	s6 =	sld [smem:$0x3FB4]  }
0x2c: {  	s7 =	sld [smem:$0x3FB5]  }
0x2d: {  	s3 =	simm.s32 $0x108;
	s8 =	sld [smem:$0x3FB6]  }
0x2e: {  	s3 =	simm.s32 @!p0 $0x1082;
	s9 =	sld [smem:$0x3FB7]  }
0x2f: {  	lr =	sadd.s32 s0, s3;
	s0 =	sld [smem:$0x3FAE]  }
0x30: {  	s3 =	sld [smem:$0x3FB1]  }
0x31: {  	[smem:$0x3FBA] =	sst s10  }
0x32: {  	s10 =	sld [smem:$0x3FB8];
	_ =	sdelay $0x3  }
0x33: {  	p0 =	seq.s32 s10, $0x1;
	s10 =	sld [smem:$0x3FBA];
	_ =	sdelay $0x3  }
0x34: {  	[smem:$0x3FBA] =	sst s10  }
0x35: {  	s10 =	sld [smem:$0x3FB9];
	_ =	sdelay $0x3  }
0x36: {  	p1 =	seq.s32 s10, $0x1;
	s10 =	sld [smem:$0x3FBA];
	_ =	sdelay $0x3  }
0x37: {  	[smem:$0x3FBA] =	sst s10  }
0x38: {  	s10 =	sld [smem:$0x3FBB]  }
0x39: {  	_ = 	snop;
	(pc) =	sbr.ind lr, $3  }
0x3a: {  	_ = 	snop  }
0x3b: {  	_ = 	snop  }
0x3c: {  	p2 =	seq.s32 s10, $0x1;
	s10 =	sld [smem:$0x3FBA]  }
0x3d: {  	_ =	shalt  }
0x3e: {  	_ =	shalt  }
0x3f: {  	_ =	shalt  }
0x40: {  	_ =	shalt  }
0x41: {  	_ =	shalt  }
0x42: {  	_ =	shalt  }
0x43: {  	_ =	shalt  }
0x44: {  	_ =	shalt  }
0x45: {  	_ =	shalt  }
0x46: {  	_ =	shalt  }
0x47: {  	_ =	shalt  }
0x48: {  	_ =	shalt  }
0x49: {  	_ =	shalt  }
0x4a: {  	_ =	shalt  }
0x4b: {  	_ =	shalt  }
0x4c: {  	_ =	shalt  }
0x4d: {  	_ =	shalt  }
0x4e: {  	_ =	shalt  }
0x4f: {  	_ =	shalt  }
0x50: {  	_ =	shalt  }
0x51: {  	_ =	shalt  }
0x52: {  	_ =	shalt  }
0x53: {  	_ =	shalt  }
0x54: {  	_ =	shalt  }
0x55: {  	_ =	shalt  }
0x56: {  	_ =	shalt  }
0x57: {  	_ =	shalt  }
0x58: {  	_ =	shalt  }
0x59: {  	_ =	shalt  }
0x5a: {  	_ =	shalt  }
0x5b: {  	_ =	shalt  }
0x5c: {  	_ =	shalt  }
0x5d: {  	_ =	shalt  }
0x5e: {  	_ =	shalt  }
0x5f: {  	_ =	shalt  }
0x60: {  	_ =	shalt  }
0x61: {  	_ =	shalt  }
0x62: {  	_ =	shalt  }
0x63: {  	_ =	shalt  }
0x64: {  	_ =	shalt  }
0x65: {  	_ =	shalt  }
0x66: {  	_ =	shalt  }
0x67: {  	_ =	shalt  }
0x68: {  	_ =	shalt  }
0x69: {  	_ =	shalt  }
0x6a: {  	_ =	shalt  }
0x6b: {  	_ =	shalt  }
0x6c: {  	_ =	shalt  }
0x6d: {  	_ =	shalt  }
0x6e: {  	_ =	shalt  }
0x6f: {  	_ =	shalt  }
0x70: {  	_ =	shalt  }
0x71: {  	_ =	shalt  }
0x72: {  	_ =	shalt  }
0x73: {  	_ =	shalt  }
0x74: {  	_ =	shalt  }
0x75: {  	_ =	shalt  }
0x76: {  	_ =	shalt  }
0x77: {  	_ =	shalt  }
0x78: {  	_ =	shalt  }
0x79: {  	_ =	shalt  }
0x7a: {  	_ =	shalt  }
0x7b: {  	_ =	shalt  }
0x7c: {  	_ =	shalt  }
0x7d: {  	_ =	shalt  }
0x7e: {  	_ =	shalt  }
0x7f: {  	_ =	shalt  }
0x80: {  	_ =	shalt  }
0x81: {  	_ =	shalt  }
0x82: {  	_ =	shalt  }
0x83: {  	_ =	shalt  }
0x84: {  	_ =	shalt  }
0x85: {  	_ =	shalt  }
0x86: {  	_ =	shalt  }
0x87: {  	_ =	shalt  }
.Lfunc_end0:
.L_simem_size_0:
called_computation_lowered:
.L_overlay_start_0:
0x88: {  	s2 =	sld [smem:$0x3FD9]  }
0x89: {  	s3 =	sld [smem:$0x3FFE];
	_ =	sdelay $0x1  }
0x8a: {  	s1 =	srdreg.scid  }
0x8b: {  	s0 =	sand.u32 $0x1, s1  }
0x8c: {  	s18 =	sshll.u32 s0, $0xA;
	s2 =	sadd.s32 s3, s2  }
0x8d: {  	s2 =	sadd.s32 s2, s18  }
0x8e: {  	[smem:$0x3FC6] =	sst s2  }
0x8f: {  	_ = 	snop  }
0x90: {  	s2 =	sld [smem:$0x3FC9]  }
0x91: {  	s19 =	sld [smem:$0x3FC8]  }
0x92: {  	s4 =	sld [smem:$0x3FD0];
	(tm) =	ssettm $0x1  }
0x93: {  	s5 =	sld [smem:$0x3FFB];
	_ =	sdelay $0x3  }
0x94: {  	_ =	strace s5  }
0x95: {  	s5 =	sld [smem:$0x3FFC];
	_ =	sdelay $0x3  }
0x96: {  	_ =	strace s5  }
0x97: {  	s5 =	sld [smem:$0x3FFD];
	_ =	sdelay $0x3  }
0x98: {  	_ =	strace s5  }
0x99: {  	_ =	strace $0x8FFFFFFF  }
0x9a: {  	s20 =	sld [smem:$0x3FDB];
	_ =	sdelay $0x1  }
0x9b: {  	s6 =	simm.s32 $_scs_section_size  }
0x9c: {  	s7 =	simm.s32 $_size__tile_overlayer_lowered;
	s8 =	simm.s32 $_tile_overlayer_lowered  }
0x9d: {  	s23 =	simm.s32 $0x1BFF;
	s22 =	sshll.u32 s8, $0x1;
	s5 =	sadd.s32 s6, s20  }
0x9e: {  	s9 =	simm.s32 $0x0;
	s21 =	sshll.u32 s7, $0x1;
	s7 =	sadd.s32 s22, s5  }
0x9f: {  	[timem:s9], [sflag:s23] =	dma.local [hbm:s7], s21  }
0xa0: {  	_ =	swait.ge [sflag:s23], s21  }
0xa1: {  	s6 =	ssub.s32 $0x0, s21;
	[sflag:s23] =	ssyncset.done $0x0  }
0xa2: {  	[sflag:s23] =	ssyncadd.s32 s6;
	_ =	sdelay $0x1  }
0xa3: {  	s24 =	simm.s32 $0x1B8B  }
0xa4: {  	_ =	swait.ge [sflag:s24], $0x1  }
0xa5: {  	[sflag:s24] =	ssyncset.done $0x0  }
0xa6: {  	s25 =	simm.s32 $0x1B8E;
	[sflag:s24] =	ssyncadd.s32 $0xFFFFFFFF  }
0xa7: {  	s26 =	simm.s32 $execute0_lowered;
	[smem:$0x3FD2] =	sst s25  }
0xa8: {  	s6 =	sshll.u32 s26, $0x1;
	_ =	strace $0x80000046;
	[dreg:$0x1] =	wrdreg $0xFFFFFFFF  }
0xa9: {  	s28 =	simm.s32 $_size_execute0_lowered;
	s5 =	sadd.s32 s5, s6;
	[dreg:$0x0] =	wrdreg $0x0  }
0xaa: {  	s6 =	sshll.u32 s28, $0x1;
	[dreg:$0x2] =	wrdreg s5  }
0xab: {  	[dreg:$0x3] =	wrdreg s6  }
0xac: {  	[dreg:$0x4] =	wrdreg $0xC0  }
0xad: {  	_ =	task [dreg:s9], $0x5FFFF  }
0xae: {  	[dreg:$0x1] =	wrdreg $0xFFFFFFFF  }
0xaf: {  	[dreg:$0x0] =	wrdreg $0x60  }
0xb0: {  	[dreg:$0x2] =	wrdreg s2  }
0xb1: {  	[dreg:$0x3] =	wrdreg s19  }
0xb2: {  	[dreg:$0x4] =	wrdreg s4  }
0xb3: {  	[dreg:$0x5] =	wrdreg $0x9  }
0xb4: {  	_ =	task.clear_ibuf [dreg:s9], $0x6FFFF;
	_ =	strace $0x90000046  }
0xb5: {  	s29 =	simm.s32 $0x9;
	_ =	strace $0x80000048  }
0xb6: {  	_ =	swait.ge [sflag:s29], $0x1  }
0xb7: {  	[sflag:s29] =	ssyncadd.s32 $0xFFFFFFFF  }
0xb8: {  	_ =	strace $0x90000048  }
0xb9: {  	_ =	sfence  }
0xba: {  	s30 =	sld [smem:$0x0];
	_ =	sdelay $0x2  }
0xbb: {  	s31 =	sshll.u32 s1, $0xD;
	s1 =	sshrl.u32 s1, $0x2  }
0xbc: {  	s3 =	sand.u32 $0x4000, s31;
	s1 =	sadd.s32 s1, s30  }
0xbd: {  	s0 =	sor.u32 s3, s0;
	s1 =	sshll.u32 s1, $0x11  }
0xbe: {  	s0 =	sor.u32 s1, s0  }
0xbf: {  	s0 =	sadd.s32 $0x8F2B, s0  }
0xc0: {  	[sflag:s0] =	ssyncadd.remote.s32 $0x1  }
0xc1: {  	_ =	sfence.sel $0xFFFF  }
0xc2: {  	[dreg:$0x0] =	wrdreg $0xFFFFFFFF;
	(pc) =	sbr.abs _section_cstart, $3  }
0xc3: {  	[dreg:$0x1] =	wrdreg $0xFFFFFFFF  }
0xc4: {  	_ =	task.clear_ibuf [dreg:s9], $0x2FFFF;
	_ =	strace $0x9FFFFFFF  }
0xc5: {  	(tm) =	ssettm $0x7FFFFFFF  }
tec
execute0_lowered:
.L_overlay_start_1:
0x0: {  	(tag) =	ssettag $0x1  }
0x1: {  	s2 =	srdreg.scid;
	s3 =	stileid.u32  }
0x2: {  	s2 =	sand.u32 $0x1, s2;
	s4 =	sshll.u32 s3, $0x1  }
0x3: {  	s4 =	sor.u32 s2, s4  }
0x4: {  	p0 =	sgt.u32 s4, $0x1A  }
.Ltmp0:
0x5: {  	_ = 	snop;
	(pc) =	sbr.rel @p0 .LBB2_11-.Ltmp0, $4  }
0x6: {  	s1 =	rddreg [dreg:$0x0]  }
0x7: {  	s9 =	rddreg [dreg:$0x1];
	s3 =	simm.s32 $0x0  }
0x8: {  	[smem:$0x7FF] =	sst s3  }
0x9: {  	s0 =	rddreg [dreg:$0x2];
	_ =	strace $0x80000047  }
0xa: {  	s7 =	smul.u32 $0x3, s4  }
0xb: {  	s23 =	smul.u32 $0x180, s4;
	s4 =	sadd.s32 $0x10, s1  }
0xc: {  	s5 =	sadd.s32 $0x20, s1;
	s2 =	ssub.s32 $0x2, s2;
	s17 =	simm.s32 $0x1480  }
0xd: {  	s18 =	simm.s32 $0x2900;
	s19 =	simm.s32 $0x3D80;
	s20 =	simm.s32 $0x400  }
0xe: {  	s28 =	simm.s32 $0xA500;
	s31 =	stileid.u32;
	s29 =	simm.s32 $0x0  }
0xf: {  	v0 =	vimm.s32 $0x76543210;
	v1 =	vimm.s32 $0xFEDCBA98;
	s30 =	sshrl.u32 s2, $0x1;
	p0 =	sgt.u32 s31, $0xC;
	s8 =	sshrl.u32 s7, $0x3  }
0x10: {  	v2 =	vimm.s32 $0xBA98FEDC;
	v3 =	vimm.s32 $0x32107654;
	s10 =	sand.u32 $0x380, s23;
	s12 =	sadd.s32 $0x1, s7;
	s13 =	sadd.s32 $0x2, s7  }
0x11: {  	v4 =	vimm.s32 $0xDCFE98BA;
	v5 =	vimm.s32 $0x54761032;
	s2 =	ssub.s32 s2, s30;
	s6 =	smul.u32 $0xA400, s8;
	s24 =	sshrl.u32 s12, $0x3  }
0x12: {  	v6 =	vimm.s32 $0xEFCDAB89;
	v7 =	vimm.s32 $0x67452301;
	v0 =	vunpack.c.l.s4.s8 v0;
	s12 =	sshll.u32 s12, $0x7;
	s15 =	sshrl.u32 s13, $0x3;
	s13 =	sshll.u32 s13, $0x7  }
0x13: {  	v1 =	vunpack.c.l.s4.s8 v1;
	v2 =	vunpack.c.l.s4.s8 v2;
	v3 =	vunpack.c.l.s4.s8 v3;
	s8 =	sshll.u32 s8, $0xA;
	s14 =	smul.u32 $0xA400, s24;
	s12 =	sand.u32 $0x380, s12  }
0x14: {  	v4 =	vunpack.c.l.s4.s8 v4;
	v5 =	vunpack.c.l.s4.s8 v5;
	v6 =	vunpack.c.l.s4.s8 v6;
	s16 =	smul.u32 $0xA400, s15;
	s13 =	sand.u32 $0x380, s13;
	s26 =	sshll.u32 s15, $0xA  }
0x15: {  	v7 =	vunpack.c.l.s4.s8 v7;
	v2 =	vunpack.c.0.s8.s32 v2;
	v1 =	vunpack.c.0.s8.s32 v1;
	s15 =	simm.s32 $0x200;
	s11 =	sor.u32 s10, s6;
	s6 =	sadd.s32 $0x30, s1  }
0x16: {  	v3 =	vunpack.c.0.s8.s32 v3;
	v4 =	vunpack.c.0.s8.s32 v4;
	v62 =	vunpack.c.0.s8.s32 v0;
	s10 =	sor.u32 s10, s8;
	s11 =	sshrl.u32 s11, $0x3;
	s14 =	sor.u32 s12, s14  }
0x17: {  	v5 =	vunpack.c.0.s8.s32 v5;
	v6 =	vunpack.c.0.s8.s32 v6;
	v1 =	vand.u32 $0xF, v1;
	s16 =	sor.u32 s13, s16;
	s10 =	sshrl.u32 s10, $0x3;
	s7 =	sadd.s32 s9, s11  }
0x18: {  	v7 =	vunpack.c.0.s8.s32 v7;
	v2 =	vcombine.low v3, v2;
	v1 =	vcombine.low v1, v62;
	s14 =	sshrl.u32 s14, $0x3;
	s25 =	sshrl.u32 s16, $0x3;
	s10 =	sadd.s32 s0, s10  }
0x19: {  	v3 =	vcombine.low v5, v4;
	s11 =	sshll.u32 s24, $0xA;
	s16 =	simm.s32 $0x1;
	s24 =	simm.s32 $0xA400  }
0x1a: {  	v63 =	vcombine.low v7, v6;
	s8 =	sadd.s32 s9, s14;
	s9 =	sadd.s32 s9, s25;
	s11 =	sor.u32 s12, s11;
	[tilespmem:$0x1FFC0] =	vst v1;
	v1 =	vand.u32 $0xF, v2  }
0x1b: {  	s12 =	sor.u32 s13, s26;
	s13 =	smax.u32 s2, $0x1;
	s14 =	simm.s32 $0x80;
	[tilespmem:$0x1FFD0] =	vst v1;
	v1 =	vand.u32 $0xF, v3  }
0x1c: {  	s25 =	simm.s32 $0x5200;
	s11 =	sshrl.u32 s11, $0x3;
	s12 =	sshrl.u32 s12, $0x3;
	[tilespmem:$0x1FFE0] =	vst v1;
	v1 =	vand.u32 $0xF, v63  }
0x1d: {  	vm0 =	vmmov $0x1;
	v0 =	vlaneseq.u32;
	s26 =	simm.s32 $0xA480;
	s11 =	sadd.s32 s0, s11;
	s12 =	sadd.s32 s0, s12;
	[tilespmem:$0x1FFF0] =	vst v1  }
.LBB2_2:
0x1e: {  	s0 =	simm.s32 $0x0  }
0x1f: {  	[tilespmem:s0], [sflag:$0x1] =	stream.strided.gather [hbm4b:s1+s14], $0x1480, s15, s14, $0x38;
	[tilespmem:$0xA580] =	vst v63  }
0x20: {  	_ =	swait.ge [sflag:s16], $0x1480  }
0x21: {  	[sflag:s16] =	ssyncset.done $0x0  }
0x22: {  	[sflag:s16] =	ssyncadd.s32 $0xFFFFEB80  }
0x23: {  	[tilespmem:s17], [sflag:$0x1] =	stream.strided.gather [hbm4b:s4+s14], $0x1480, s15, s14, $0x38;
	[tilespmem:$0xA580] =	vst v63  }
0x24: {  	_ =	swait.ge [sflag:s16], $0x1480  }
0x25: {  	[sflag:s16] =	ssyncset.done $0x0  }
0x26: {  	[sflag:s16] =	ssyncadd.s32 $0xFFFFEB80  }
0x27: {  	[tilespmem:s18], [sflag:$0x1] =	stream.strided.gather [hbm4b:s5+s14], $0x1480, s15, s14, $0x38;
	[tilespmem:$0xA580] =	vst v63  }
0x28: {  	_ =	swait.ge [sflag:s16], $0x1480  }
0x29: {  	[sflag:s16] =	ssyncset.done $0x0  }
0x2a: {  	[sflag:s16] =	ssyncadd.s32 $0xFFFFEB80  }
0x2b: {  	[tilespmem:s19], [sflag:$0x1] =	stream.strided.gather [hbm4b:s6+s14], $0x1480, s15, s14, $0x38;
	[tilespmem:$0xA580] =	vst v63  }
0x2c: {  	_ =	swait.ge [sflag:s16], $0x1480  }
0x2d: {  	[sflag:s16] =	ssyncset.done $0x0  }
0x2e: {  	s23 =	simm.s32 $0x6680;
	[sflag:s16] =	ssyncadd.s32 $0xFFFFEB80  }
0x2f: {  	[tilespmem:s23], [sflag:$0x1] =	stream.strided.gather [hbm4b:s7+s14], $0x1480, s20, s14, $0x38;
	[tilespmem:$0xA580] =	vst v63  }
0x30: {  	_ =	swait.ge [sflag:s16], $0x1480  }
0x31: {  	[sflag:s16] =	ssyncset.done $0x0  }
0x32: {  	s30 =	simm.s32 $0x7B00;
	[sflag:s16] =	ssyncadd.s32 $0xFFFFEB80  }
0x33: {  	[tilespmem:s30], [sflag:$0x1] =	stream.strided.gather [hbm4b:s8+s14], $0x1480, s20, s14, $0x38;
	[tilespmem:$0xA580] =	vst v63  }
0x34: {  	_ =	swait.ge [sflag:s16], $0x1480  }
0x35: {  	[sflag:s16] =	ssyncset.done $0x0  }
0x36: {  	s31 =	simm.s32 $0x8F80;
	[sflag:s16] =	ssyncadd.s32 $0xFFFFEB80  }
0x37: {  	[tilespmem:s31], [sflag:$0x1] =	stream.strided.gather [hbm4b:s9+s14], $0x1480, s20, s14, $0x38;
	[tilespmem:$0xA580] =	vst v63  }
0x38: {  	_ =	swait.ge [sflag:s16], $0x1480  }
0x39: {  	[sflag:s16] =	ssyncset.done $0x0  }
0x3a: {  	s0 =	simm.s32 $0x0;
	[sflag:s16] =	ssyncadd.s32 $0xFFFFEB80  }
0x3b: {  	v6 =	vld [tilespmem:s0+$0x2920]  }
0x3c: {  	v7 =	vld [tilespmem:s0+$0x20]  }
0x3d: {  	v8 =	vld [tilespmem:s0+$0x3DA0]  }
0x3e: {  	v9 =	vld [tilespmem:s0+$0x14A0]  }
0x3f: {  	v11 =	vld [tilespmem:s0+$0x2900]  }
0x40: {  	v12 =	vld [tilespmem:s0+$0x0]  }
0x41: {  	v13 =	vld [tilespmem:s0+$0x3D80]  }
0x42: {  	v14 =	vld [tilespmem:s0+$0x1480]  }
0x43: {  	v15 =	vld [tilespmem:s0+$0x2910];
	v6 =	vsub.f32 v6, v7;
	v7 =	vsub.f32 v8, v9  }
0x44: {  	v16 =	vld [tilespmem:s0+$0x10]  }
0x45: {  	v10 =	vld [tilespmem:s0+$0x1490];
	v7 =	vmul.f32 v7, v6  }
0x46: {  	s2 =	simm.s32 $0x30;
	v9 =	vld [tilespmem:s0+$0x3D90]  }
0x47: {  	v11 =	vsub.f32 v11, v12;
	v12 =	vsub.f32 v13, v14;
	v6 =	vld [tilespmem:s2+$0x2920];
	[tilespmem:s0+$0x5220] =	vst v7  }
0x48: {  	v7 =	vld [tilespmem:s2+$0x20]  }
0x49: {  	s21 =	simm.s32 $0x180;
	v12 =	vmul.f32 v12, v11;
	v11 =	vsub.f32 v15, v16;
	v8 =	vld [tilespmem:s2+$0x3DA0]  }
.LBB2_3:
0x4a: {  	p1 =	sne.s32 s21, $0x4F80;
	v13 =	vld [tilespmem:s2+$0x14A0]  }
0x4b: {  	v14 =	vld [tilespmem:s2+$0x2900];
	[tilespmem:s0+$0x5200] =	vst v12;
	v9 =	vsub.f32 v9, v10  }
0x4c: {  	v10 =	vld [tilespmem:s2+$0x0]  }
0x4d: {  	v12 =	vld [tilespmem:s2+$0x3D80];
	v9 =	vmul.f32 v9, v11  }
0x4e: {  	v11 =	vld [tilespmem:s2+$0x1480]  }
0x4f: {  	v6 =	vsub.f32 v6, v7;
	v15 =	vld [tilespmem:s2+$0x2910];
	v7 =	vsub.f32 v8, v13;
	[tilespmem:s0+$0x5210] =	vst v9;
	s0 =	smov.u32 s2  }
0x50: {  	v13 =	vld [tilespmem:s0+$0x10]  }
.Ltmp1:
0x51: {  	v14 =	vsub.f32 v14, v10;
	v9 =	vld [tilespmem:s0+$0x3D90];
	v7 =	vmul.f32 v7, v6;
	(pc) =	sbr.rel @p1 .LBB2_3-.Ltmp1, $4  }
0x52: {  	s2 =	sshra.s32 s21, $0x2;
	v10 =	vld [tilespmem:s0+$0x1490]  }
0x53: {  	v6 =	vld [tilespmem:s2+$0x2920];
	v11 =	vsub.f32 v12, v11;
	[tilespmem:s0+$0x5220] =	vst v7  }
0x54: {  	v7 =	vld [tilespmem:s2+$0x20]  }
0x55: {  	s21 =	sadd.s32 $0xC0, s21;
	v8 =	vld [tilespmem:s2+$0x3DA0];
	v12 =	vmul.f32 v11, v14;
	v11 =	vsub.f32 v15, v13  }
0x56: {  	v13 =	vld [tilespmem:s2+$0x14A0]  }
0x57: {  	v14 =	vld [tilespmem:s2+$0x2900];
	[tilespmem:s0+$0x5200] =	vst v12;
	v9 =	vsub.f32 v9, v10  }
0x58: {  	v10 =	vld [tilespmem:s2+$0x0]  }
0x59: {  	v12 =	vld [tilespmem:s2+$0x3D80];
	v9 =	vmul.f32 v9, v11  }
0x5a: {  	v15 =	vld [tilespmem:s2+$0x2910]  }
0x5b: {  	v11 =	vld [tilespmem:s2+$0x1480];
	[tilespmem:s0+$0x5210] =	vst v9  }
0x5c: {  	v9 =	vld [tilespmem:s2+$0x10]  }
0x5d: {  	v16 =	vld [tilespmem:s2+$0x3D90]  }
0x5e: {  	v17 =	vld [tilespmem:s2+$0x1490];
	_ =	sdelay $0x2  }
0x5f: {  	v6 =	vsub.f32 v6, v7;
	v7 =	vsub.f32 v8, v13  }
0x60: {  	v8 =	vsub.f32 v14, v10;
	v10 =	vsub.f32 v12, v11  }
0x61: {  	v6 =	vmul.f32 v7, v6;
	v7 =	vsub.f32 v15, v9;
	v9 =	vsub.f32 v16, v17  }
0x62: {  	v8 =	vmul.f32 v10, v8  }
0x63: {  	[tilespmem:s2+$0x5220] =	vst v6;
	v6 =	vmul.f32 v9, v7  }
0x64: {  	[tilespmem:s2+$0x5200] =	vst v8  }
0x65: {  	[tilespmem:s2+$0x5210] =	vst v6;
	v6 =	vimm.s32 $0x0  }
0x66: {  	[tilespmem:$0xA400] =	vst v6  }
0x67: {  	[tilespmem:$0xA410] =	vst v6  }
0x68: {  	[tilespmem:$0xA420] =	vst v6  }
0x69: {  	[tilespmem:$0xA430] =	vst v6  }
0x6a: {  	[tilespmem:$0xA440] =	vst v6  }
0x6b: {  	[tilespmem:$0xA450] =	vst v6  }
0x6c: {  	[tilespmem:$0xA460] =	vst v6  }
0x6d: {  	[tilespmem:$0xA470] =	vst v6  }
0x6e: {  	[tilespmem:$0xA480] =	vst v6  }
0x6f: {  	[tilespmem:$0xA490] =	vst v6  }
0x70: {  	[tilespmem:$0xA4A0] =	vst v6  }
0x71: {  	[tilespmem:$0xA4B0] =	vst v6  }
0x72: {  	[tilespmem:$0xA4C0] =	vst v6  }
0x73: {  	[tilespmem:$0xA4D0] =	vst v6  }
0x74: {  	[tilespmem:$0xA4E0] =	vst v6  }
0x75: {  	[tilespmem:$0xA4F0] =	vst v6  }
0x76: {  	[tilespmem:$0xA500] =	vst v6  }
0x77: {  	[tilespmem:$0xA510] =	vst v6  }
0x78: {  	[tilespmem:$0xA520] =	vst v6  }
0x79: {  	[tilespmem:$0xA530] =	vst v6  }
0x7a: {  	[tilespmem:$0xA540] =	vst v6  }
0x7b: {  	[tilespmem:$0xA550] =	vst v6  }
0x7c: {  	[tilespmem:$0xA560] =	vst v6  }
0x7d: {  	s22 =	simm.s32 $0x66A0;
	[tilespmem:$0xA570] =	vst v6  }
0x7e: {  	v7 =	vld [tilespmem:s22+$0xFFFFFFE0];
	_ =	sdelay $0x4  }
0x7f: {  	vm1 =	vgt.f32 v7, $5.000000070e-02  }
0x80: {  	v7 =	vnsel vm1, $0xFF800000, v7  }
0x81: {  	s2 =	simm.s32 $0x7B20;
	[tilespmem:s22+$0xFFFFFFE0] =	vst v7  }
0x82: {  	v8 =	vld [tilespmem:s2+$0xFFFFFFE0];
	_ =	sdelay $0x4  }
0x83: {  	vm1 =	vgt.f32 v8, $5.000000070e-02  }
0x84: {  	v8 =	vnsel vm1, $0xFF800000, v8  }
0x85: {  	s21 =	simm.s32 $0x8FA0;
	[tilespmem:s2+$0xFFFFFFE0] =	vst v8  }
0x86: {  	v9 =	vld [tilespmem:s21+$0xFFFFFFE0];
	_ =	sdelay $0x4  }
0x87: {  	vm1 =	vgt.f32 v9, $5.000000070e-02  }
0x88: {  	v9 =	vnsel vm1, $0xFF800000, v9  }
0x89: {  	[tilespmem:s21+$0xFFFFFFE0] =	vst v9  }
0x8a: {  	v10 =	vld [tilespmem:s22+$0xFFFFFFF0];
	_ =	sdelay $0x4  }
0x8b: {  	vm1 =	vgt.f32 v10, $5.000000070e-02  }
0x8c: {  	v10 =	vnsel vm1, $0xFF800000, v10  }
0x8d: {  	[tilespmem:s22+$0xFFFFFFF0] =	vst v10  }
0x8e: {  	v11 =	vld [tilespmem:s2+$0xFFFFFFF0];
	_ =	sdelay $0x4  }
0x8f: {  	vm1 =	vgt.f32 v11, $5.000000070e-02  }
0x90: {  	v13 =	vnsel vm1, $0xFF800000, v11  }
0x91: {  	[tilespmem:s2+$0xFFFFFFF0] =	vst v13  }
0x92: {  	v11 =	vld [tilespmem:s21+$0xFFFFFFF0];
	_ =	sdelay $0x4  }
0x93: {  	vm1 =	vgt.f32 v11, $5.000000070e-02  }
0x94: {  	v11 =	vnsel vm1, $0xFF800000, v11  }
0x95: {  	[tilespmem:s21+$0xFFFFFFF0] =	vst v11  }
0x96: {  	v12 =	vld [tilespmem:s22+$0x0];
	_ =	sdelay $0x4  }
0x97: {  	vm1 =	vgt.f32 v12, $5.000000070e-02  }
0x98: {  	v14 =	vnsel vm1, $0xFF800000, v12  }
0x99: {  	[tilespmem:s22+$0x0] =	vst v14  }
0x9a: {  	v12 =	vld [tilespmem:s2+$0x0];
	_ =	sdelay $0x3  }
0x9b: {  	s23 =	simm.s32 $0x0  }
0x9c: {  	v63 =	vor.u32 s23, v0;
	v15 =	vimm.f32 $-Inf;
	vm2 =	vgt.f32 v12, $5.000000070e-02  }
0x9d: {  	vm3 =	vgt.f32 v9, v15;
	vm1 =	vgt.f32 v7, v15;
	v62 =	vnsel vm2, $0xFF800000, v12  }
0x9e: {  	vm4 =	vgt.f32 v8, v15;
	v9 =	vsel vm3, v9, v15;
	v7 =	vsel vm1, v7, v15;
	[tilespmem:s2+$0x0] =	vst v62  }
0x9f: {  	vm5 =	vgt.f32 v11, v9;
	v15 =	vsel vm4, v8, v15;
	vm2 =	vgt.f32 v10, v7;
	v18 =	vld [tilespmem:s21+$0x0]  }
0xa0: {  	s23 =	simm.s32 $0x20;
	s22 =	simm.s32 $0x10;
	v8 =	vsel vm1, v63, v6;
	v12 =	vsel vm5, v11, v9;
	v7 =	vsel vm2, v10, v7  }
0xa1: {  	v11 =	vor.u32 s23, v0;
	v10 =	vor.u32 s22, v0;
	vm1 =	vgt.f32 v14, v7  }
0xa2: {  	v9 =	vsel vm2, v10, v8;
	vm2 =	vgt.f32 v13, v15;
	v8 =	vsel vm1, v14, v7  }
0xa3: {  	v7 =	vsel vm1, v11, v9;
	v9 =	vsel vm2, v13, v15;
	v13 =	vsel vm4, v63, v6  }
0xa4: {  	v15 =	vsel vm3, v63, v6;
	v14 =	vsel vm2, v10, v13;
	vm2 =	vgt.f32 v18, $5.000000070e-02  }
0xa5: {  	vm1 =	vgt.f32 v62, v9;
	v10 =	vsel vm5, v10, v15;
	v13 =	vnsel vm2, $0xFF800000, v18  }
0xa6: {  	s31 =	simm.s32 $0x80;
	s30 =	simm.s32 $0x66D0;
	s0 =	simm.s32 $0x50;
	v9 =	vsel vm1, v62, v9;
	v6 =	vsel vm1, v11, v14;
	[tilespmem:s21+$0x0] =	vst v13;
	vm1 =	vgt.f32 v13, v12  }
.LBB2_5:
0xa7: {  	p1 =	sne.s32 s31, $0x1400;
	v14 =	vld [tilespmem:s30+$0xFFFFFFE0];
	v12 =	vsel vm1, v13, v12;
	v10 =	vsel vm1, v11, v10;
	s2 =	sadd.s32 $0x30, s2;
	s21 =	sadd.s32 $0x30, s21  }
0xa8: {  	s22 =	smov.u32 s31;
	s31 =	sadd.s32 $0x30, s31;
	_ =	sdelay $0x3  }
0xa9: {  	vm1 =	vgt.f32 v14, $5.000000070e-02  }
0xaa: {  	v11 =	vnsel vm1, $0xFF800000, v14  }
0xab: {  	[tilespmem:s30+$0xFFFFFFE0] =	vst v11;
	vm1 =	vgt.f32 v11, v8  }
0xac: {  	v13 =	vld [tilespmem:s2+$0xFFFFFFE0];
	_ =	sdelay $0x4  }
0xad: {  	vm2 =	vgt.f32 v13, $5.000000070e-02  }
0xae: {  	v13 =	vnsel vm2, $0xFF800000, v13  }
0xaf: {  	[tilespmem:s2+$0xFFFFFFE0] =	vst v13  }
0xb0: {  	v14 =	vld [tilespmem:s21+$0xFFFFFFE0];
	_ =	sdelay $0x4  }
0xb1: {  	vm2 =	vgt.f32 v14, $5.000000070e-02  }
0xb2: {  	v14 =	vnsel vm2, $0xFF800000, v14  }
0xb3: {  	[tilespmem:s21+$0xFFFFFFE0] =	vst v14  }
0xb4: {  	v15 =	vld [tilespmem:s30+$0xFFFFFFF0];
	_ =	sdelay $0x4  }
0xb5: {  	vm2 =	vgt.f32 v15, $5.000000070e-02  }
0xb6: {  	v8 =	vsel vm1, v11, v8;
	v11 =	vnsel vm2, $0xFF800000, v15  }
0xb7: {  	[tilespmem:s30+$0xFFFFFFF0] =	vst v11;
	vm6 =	vgt.f32 v11, v8  }
0xb8: {  	v15 =	vld [tilespmem:s2+$0xFFFFFFF0];
	_ =	sdelay $0x4  }
0xb9: {  	vm3 =	vgt.f32 v13, v9;
	vm2 =	vgt.f32 v15, $5.000000070e-02  }
0xba: {  	v9 =	vsel vm3, v13, v9;
	v13 =	vnsel vm2, $0xFF800000, v15  }
0xbb: {  	[tilespmem:s2+$0xFFFFFFF0] =	vst v13;
	vm5 =	vgt.f32 v13, v9  }
0xbc: {  	v15 =	vld [tilespmem:s21+$0xFFFFFFF0];
	_ =	sdelay $0x4  }
0xbd: {  	vm2 =	vgt.f32 v14, v12;
	vm4 =	vgt.f32 v15, $5.000000070e-02  }
0xbe: {  	v12 =	vsel vm2, v14, v12;
	v14 =	vnsel vm4, $0xFF800000, v15  }
0xbf: {  	[tilespmem:s21+$0xFFFFFFF0] =	vst v14;
	vm4 =	vgt.f32 v14, v12  }
0xc0: {  	v12 =	vsel vm4, v14, v12;
	v14 =	vld [tilespmem:s30+$0x0];
	_ =	sdelay $0x3  }
0xc1: {  	s23 =	sadd.s32 $0xFFFFFFE0, s0  }
0xc2: {  	v15 =	vor.u32 s23, v0;
	s23 =	sadd.s32 $0xFFFFFFF0, s0;
	vm7 =	vgt.f32 v14, $5.000000070e-02  }
0xc3: {  	v8 =	vsel vm6, v11, v8;
	v7 =	vsel vm1, v15, v7;
	v14 =	vnsel vm7, $0xFF800000, v14  }
0xc4: {  	v16 =	vor.u32 s23, v0;
	[tilespmem:s30+$0x0] =	vst v14;
	vm1 =	vgt.f32 v14, v8  }
0xc5: {  	v11 =	vor.u32 s0, v0;
	s0 =	smov.u32 s22;
	v7 =	vsel vm6, v16, v7;
	v8 =	vsel vm1, v14, v8;
	v14 =	vld [tilespmem:s2+$0x0]  }
0xc6: {  	v7 =	vsel vm1, v11, v7;
	_ =	sdelay $0x3  }
0xc7: {  	vm1 =	vgt.f32 v14, $5.000000070e-02  }
0xc8: {  	v9 =	vsel vm5, v13, v9;
	v6 =	vsel vm3, v15, v6;
	v13 =	vnsel vm1, $0xFF800000, v14  }
0xc9: {  	v6 =	vsel vm5, v16, v6;
	[tilespmem:s2+$0x0] =	vst v13;
	vm1 =	vgt.f32 v13, v9  }
0xca: {  	v9 =	vsel vm1, v13, v9;
	v6 =	vsel vm1, v11, v6;
	v13 =	vld [tilespmem:s21+$0x0];
	_ =	sdelay $0x2  }
.Ltmp2:
0xcb: {  	(pc) =	sbr.rel @p1 .LBB2_5-.Ltmp2, $4  }
0xcc: {  	_ = 	snop  }
0xcd: {  	vm1 =	vgt.f32 v13, $5.000000070e-02  }
0xce: {  	v10 =	vsel vm2, v15, v10;
	v13 =	vnsel vm1, $0xFF800000, v13  }
0xcf: {  	v10 =	vsel vm4, v16, v10;
	s30 =	sadd.s32 $0x30, s30;
	[tilespmem:s21+$0x0] =	vst v13;
	vm1 =	vgt.f32 v13, v12  }
0xd0: {  	v14 =	vld [tilespmem:s30+$0xFFFFFFE0];
	_ =	sdelay $0x4  }
0xd1: {  	vm2 =	vgt.f32 v14, $5.000000070e-02  }
0xd2: {  	v14 =	vnsel vm2, $0xFF800000, v14  }
0xd3: {  	s22 =	sadd.s32 $0x30, s2;
	[tilespmem:s30+$0xFFFFFFE0] =	vst v14  }
0xd4: {  	v15 =	vld [tilespmem:s22+$0xFFFFFFE0];
	_ =	sdelay $0x4  }
0xd5: {  	vm2 =	vgt.f32 v15, $5.000000070e-02  }
0xd6: {  	v15 =	vnsel vm2, $0xFF800000, v15  }
0xd7: {  	s2 =	sadd.s32 $0x30, s21;
	[tilespmem:s22+$0xFFFFFFE0] =	vst v15  }
0xd8: {  	v16 =	vld [tilespmem:s2+$0xFFFFFFE0];
	_ =	sdelay $0x4  }
0xd9: {  	vm2 =	vgt.f32 v16, $5.000000070e-02  }
0xda: {  	v16 =	vnsel vm2, $0xFF800000, v16  }
0xdb: {  	[tilespmem:s2+$0xFFFFFFE0] =	vst v16  }
0xdc: {  	v17 =	vld [tilespmem:s30+$0xFFFFFFF0];
	_ =	sdelay $0x4  }
0xdd: {  	vm2 =	vgt.f32 v17, $5.000000070e-02  }
0xde: {  	v17 =	vnsel vm2, $0xFF800000, v17  }
0xdf: {  	[tilespmem:s30+$0xFFFFFFF0] =	vst v17  }
0xe0: {  	v18 =	vld [tilespmem:s22+$0xFFFFFFF0];
	_ =	sdelay $0x4  }
0xe1: {  	vm2 =	vgt.f32 v18, $5.000000070e-02  }
0xe2: {  	v18 =	vnsel vm2, $0xFF800000, v18  }
0xe3: {  	[tilespmem:s22+$0xFFFFFFF0] =	vst v18  }
0xe4: {  	v19 =	vld [tilespmem:s2+$0xFFFFFFF0];
	_ =	sdelay $0x4  }
0xe5: {  	vm2 =	vgt.f32 v19, $5.000000070e-02  }
0xe6: {  	v19 =	vnsel vm2, $0xFF800000, v19  }
0xe7: {  	[tilespmem:s2+$0xFFFFFFF0] =	vst v19  }
0xe8: {  	v20 =	vld [tilespmem:s30+$0x0];
	_ =	sdelay $0x4  }
0xe9: {  	vm2 =	vgt.f32 v20, $5.000000070e-02  }
0xea: {  	v20 =	vnsel vm2, $0xFF800000, v20  }
0xeb: {  	[tilespmem:s30+$0x0] =	vst v20  }
0xec: {  	v21 =	vld [tilespmem:s22+$0x0];
	_ =	sdelay $0x4  }
0xed: {  	vm2 =	vgt.f32 v21, $5.000000070e-02  }
0xee: {  	v21 =	vnsel vm2, $0xFF800000, v21  }
0xef: {  	[tilespmem:s22+$0x0] =	vst v21  }
0xf0: {  	v12 =	vsel vm1, v13, v12;
	v13 =	vld [tilespmem:s2+$0x0]  }
0xf1: {  	vm8 =	vgt.f32 v14, v8;
	vm7 =	vgt.f32 v15, v9  }
0xf2: {  	v8 =	vsel vm8, v14, v8;
	v9 =	vsel vm7, v15, v9  }
0xf3: {  	v1 =	vld [tilespmem:$0x1FFC0];
	vm3 =	vgt.f32 v16, v12;
	vm9 =	vgt.f32 v17, v8;
	vm4 =	vgt.f32 v18, v9  }
0xf4: {  	v12 =	vsel vm3, v16, v12;
	v8 =	vsel vm9, v17, v8;
	v9 =	vsel vm4, v18, v9  }
0xf5: {  	vm10 =	vgt.f32 v20, v8;
	vm2 =	vgt.f32 v19, v12;
	vm6 =	vgt.f32 v13, $5.000000070e-02  }
0xf6: {  	v2 =	vld [tilespmem:$0x1FFD0];
	v12 =	vsel vm2, v19, v12;
	vm5 =	vgt.f32 v21, v9;
	v13 =	vnsel vm6, $0xFF800000, v13  }
0xf7: {  	v8 =	vsel vm10, v20, v8;
	v9 =	vsel vm5, v21, v9;
	vm6 =	vgt.f32 v13, v12  }
0xf8: {  	s23 =	sadd.s32 $0xFFFFFFF0, s0;
	v16 =	vperm.xlane v9, v1;
	v15 =	vsel vm6, v13, v12;
	v12 =	vperm.xlane v8, v1  }
0xf9: {  	v10 =	vsel vm1, v11, v10;
	v3 =	vld [tilespmem:$0x1FFE0];
	v18 =	vor.u32 s23, v0;
	s22 =	sadd.s32 $0xFFFFFFE0, s0;
	v17 =	vperm.xlane v15, v1  }
0xfa: {  	v14 =	vor.u32 s22, v0;
	v16 =	vmax.f32 v9, v16;
	v12 =	vmax.f32 v8, v12  }
0xfb: {  	v20 =	vperm.xlane v16, v2;
	v19 =	vperm.xlane v12, v2;
	v17 =	vmax.f32 v15, v17  }
0xfc: {  	v4 =	vld [tilespmem:$0x1FFF0];
	v7 =	vsel vm8, v14, v7;
	v6 =	vsel vm7, v14, v6;
	v11 =	vperm.xlane v17, v2  }
0xfd: {  	v10 =	vsel vm3, v14, v10;
	v16 =	vmax.f32 v16, v20;
	v12 =	vmax.f32 v12, v19  }
0xfe: {  	v14 =	vperm.xlane v16, v3;
	v11 =	vmax.f32 v17, v11;
	v17 =	vperm.xlane v12, v3  }
0xff: {  	v7 =	vsel vm9, v18, v7;
	v6 =	vsel vm4, v18, v6;
	v20 =	vperm.xlane v11, v3  }
0x100: {  	v10 =	vsel vm2, v18, v10;
	v14 =	vmax.f32 v16, v14;
	v12 =	vmax.f32 v12, v17  }
0x101: {  	v19 =	vor.u32 s0, v0;
	v16 =	vperm.xlane v12, v4;
	v17 =	vmax.f32 v11, v20  }
0x102: {  	v7 =	vsel vm10, v19, v7;
	v11 =	vperm.xlane v14, v4;
	v18 =	vperm.xlane v17, v4  }
0x103: {  	v6 =	vsel vm5, v19, v6;
	v19 =	vsel vm6, v19, v10;
	v12 =	vmax.f32 v12, v16  }
0x104: {  	v11 =	vmax.f32 v14, v11;
	vm1 =	veq.f32 v8, v12;
	v10 =	vmax.f32 v17, v18  }
0x105: {  	v7 =	vnsel vm1, $0x7FFFFFFF, v7;
	vm1 =	veq.f32 v9, v11;
	vm2 =	veq.f32 v15, v10  }
0x106: {  	v8 =	vperm.xlane v7, v1;
	v6 =	vnsel vm1, $0x7FFFFFFF, v6;
	v9 =	vnsel vm2, $0x7FFFFFFF, v19  }
0x107: {  	v14 =	vperm.xlane v6, v1;
	v15 =	vperm.xlane v9, v1  }
0x108: {  	vm1 =	vlt.s32 v7, v8  }
0x109: {  	v7 =	vsel vm1, v7, v8;
	vm1 =	vlt.s32 v6, v14;
	vm2 =	vlt.s32 v9, v15  }
0x10a: {  	v8 =	vperm.xlane v7, v2;
	v6 =	vsel vm1, v6, v14;
	v9 =	vsel vm2, v9, v15  }
0x10b: {  	v14 =	vperm.xlane v6, v2;
	v15 =	vperm.xlane v9, v2  }
0x10c: {  	vm1 =	vlt.s32 v7, v8  }
0x10d: {  	v7 =	vsel vm1, v7, v8;
	vm1 =	vlt.s32 v6, v14;
	vm2 =	vlt.s32 v9, v15  }
0x10e: {  	v8 =	vperm.xlane v7, v3;
	v6 =	vsel vm1, v6, v14;
	v9 =	vsel vm2, v9, v15  }
0x10f: {  	v14 =	vperm.xlane v6, v3;
	v15 =	vperm.xlane v9, v3  }
0x110: {  	vm1 =	vlt.s32 v7, v8  }
0x111: {  	v7 =	vsel vm1, v7, v8;
	vm1 =	vlt.s32 v6, v14;
	vm2 =	vlt.s32 v9, v15  }
0x112: {  	v8 =	vperm.xlane v7, v4;
	v6 =	vsel vm1, v6, v14;
	v9 =	vsel vm2, v9, v15  }
0x113: {  	v14 =	vperm.xlane v6, v4;
	v16 =	vperm.xlane v9, v4  }
0x114: {  	vm1 =	vlt.s32 v7, v8  }
0x115: {  	v15 =	vsel vm1, v7, v8;
	vm1 =	vlt.s32 v6, v14;
	vm2 =	vlt.s32 v9, v16  }
0x116: {  	v20 =	vsel vm1, v6, v14;
	v27 =	vsel vm2, v9, v16  }
0x117: {  	s31 =	simm.s32 $0x0;
	s30 =	simm.s32 $0x0;
	[tilespmem:s2+$0x0] =	vst v13;
	v6 =	vimm.s32 $0x0;
	v14 =	vimm.s32 $0x0;
	v9 =	vimm.s32 $0x0  }
.LBB2_7:
0x118: {  	vm1 =	vlt.f32 v12, $-Inf;
	vm2 =	vgt.f32 v12, $-Inf  }
0x119: {  	vm1 =	vmor vm2, vm1  }
0x11a: {  	vm3 =	vmand vm1, vm0  }
0x11b: {  	v21 =	vmov s31;
	_ =	sdelay $0x1  }
0x11c: {  	vm4 =	vgt.f32 v11, $-Inf;
	vm2 =	vlt.f32 v11, $-Inf  }
0x11d: {  	vm2 =	vmor vm4, vm2  }
0x11e: {  	vm4 =	vmand vm2, vm0  }
0x11f: {  	[tilespmem:v21+s24+$0x0] =	vst.idx.msk vm3, v15  }
0x120: {  	v11 =	vld.idx.msk [tilespmem:v15+s30+$0x0], $0xffff  }
0x121: {  	v12 =	vld.idx.msk [tilespmem:v15+s17+$0x0], $0xffff  }
0x122: {  	vm5 =	vgt.f32 v10, $-Inf;
	vm3 =	vlt.f32 v10, $-Inf;
	v13 =	vld.idx.msk [tilespmem:v15+s18+$0x0], $0xffff  }
0x123: {  	[tilespmem:$0x1FFA0] =	vst v14;
	v14 =	vld.idx.msk [tilespmem:v15+s19+$0x0], $0xffff;
	vm3 =	vmor vm5, vm3  }
0x124: {  	v15 =	vld.idx.msk [tilespmem:v15+s25+$0x0], $0xffff;
	[tilespmem:v21+s26+$0x0] =	vst.idx.msk vm4, v20;
	vm4 =	vmand vm3, vm0;
	_ =	sdelay $0x1  }
0x125: {  	v16 =	vld.idx.msk [tilespmem:v20+s30+$0x0], $0xffff  }
0x126: {  	v17 =	vld.idx.msk [tilespmem:v20+s17+$0x0], $0xffff  }
0x127: {  	v18 =	vld.idx.msk [tilespmem:v20+s18+$0x0], $0xffff  }
0x128: {  	v19 =	vld.idx.msk [tilespmem:v20+s19+$0x0], $0xffff  }
0x129: {  	v20 =	vld.idx.msk [tilespmem:v20+s25+$0x0], $0xffff;
	[tilespmem:v21+s28+$0x0] =	vst.idx.msk vm4, v27  }
0x12a: {  	v21 =	vld.idx.msk [tilespmem:v27+s30+$0x0], $0xffff  }
0x12b: {  	v22 =	vld.idx.msk [tilespmem:v27+s18+$0x0], $0xffff  }
0x12c: {  	v23 =	vld.idx.msk [tilespmem:v27+s19+$0x0], $0xffff  }
0x12d: {  	s2 =	simm.s32 $0x0;
	v24 =	vld.idx.msk [tilespmem:v27+s25+$0x0], $0xffff  }
0x12e: {  	v30 =	vld [tilespmem:s2+$0x5200]  }
0x12f: {  	v31 =	vld [tilespmem:s2+$0x5210]  }
0x130: {  	v28 =	vld [tilespmem:s2+$0x2910]  }
0x131: {  	v32 =	vld [tilespmem:s2+$0x3DA0]  }
0x132: {  	v33 =	vld [tilespmem:s2+$0x2920]  }
0x133: {  	v34 =	vld [tilespmem:s2+$0x5220]  }
0x134: {  	v36 =	vld [tilespmem:s2+$0x14A0]  }
0x135: {  	v26 =	vimm.f32 $-Inf;
	s23 =	simm.s32 $0x10;
	v38 =	vld [tilespmem:s2+$0x20]  }
0x136: {  	s0 =	simm.s32 $0x20;
	v63 =	vor.u32 s30, v0;
	v2 =	vimm.s32 $0x0;
	v25 =	vor.u32 s23, v0;
	v40 =	vld [tilespmem:s2+$0x10]  }
0x137: {  	v10 =	vor.u32 s0, v0;
	v46 =	vld [tilespmem:s2+$0x1490];
	v35 =	vadd.f32 v31, v15;
	v37 =	vmin.f32 v13, v28  }
0x138: {  	v49 =	vld [tilespmem:s2+$0x3D90];
	v29 =	vadd.f32 v31, v20;
	v39 =	vadd.f32 v30, v24;
	v41 =	vmin.f32 v18, v28  }
0x139: {  	v27 =	vld.idx.msk [tilespmem:v27+s17+$0x0], $0xffff;
	v42 =	vmin.f32 v19, v32;
	v43 =	vmin.f32 v13, v33;
	v44 =	vmin.f32 v22, v33  }
0x13a: {  	v55 =	vld [tilespmem:s2+$0x1480];
	v45 =	vmin.f32 v23, v32;
	v47 =	vmin.f32 v22, v28;
	v28 =	vadd.f32 v34, v15  }
0x13b: {  	v59 =	vld [tilespmem:s2+$0x2900];
	v48 =	vadd.f32 v34, v20;
	v31 =	vadd.f32 v31, v24;
	v32 =	vmin.f32 v14, v32  }
0x13c: {  	v50 =	vmax.f32 v17, v36;
	v51 =	vmax.f32 v11, v38;
	v52 =	vmax.f32 v12, v36  }
0x13d: {  	v53 =	vmax.f32 v11, v40;
	v54 =	vmax.f32 v21, v40;
	v34 =	vadd.f32 v34, v24  }
0x13e: {  	v40 =	vmax.f32 v16, v40;
	v57 =	vadd.f32 v30, v20;
	v58 =	vmax.f32 v17, v46  }
0x13f: {  	v33 =	vmin.f32 v18, v33;
	v30 =	vadd.f32 v30, v15;
	v60 =	vmin.f32 v14, v49  }
0x140: {  	v56 =	vld [tilespmem:s2+$0x0];
	v61 =	vmax.f32 v12, v55;
	v36 =	vmax.f32 v27, v36;
	v5 =	vmin.f32 v18, v59  }
0x141: {  	v8 =	vmax.f32 v27, v55;
	v1 =	vmin.f32 v22, v59;
	v4 =	vmin.f32 v13, v59  }
0x142: {  	v55 =	vmax.f32 v17, v55;
	v42 =	vsub.f32 v42, v50;
	v47 =	vsub.f32 v47, v54  }
0x143: {  	v54 =	vmax.f32 v21, v38;
	v40 =	vsub.f32 v41, v40;
	v37 =	vsub.f32 v37, v53  }
0x144: {  	v41 =	vmin.f32 v23, v49;
	v32 =	vsub.f32 v32, v52;
	v49 =	vmin.f32 v19, v49  }
0x145: {  	v53 =	vmax.f32 v27, v46;
	v36 =	vsub.f32 v45, v36;
	v45 =	vmax.f32 v11, v56  }
0x146: {  	v43 =	vsub.f32 v43, v51;
	v46 =	vmax.f32 v12, v46;
	v41 =	vsub.f32 v41, v53  }
0x147: {  	v50 =	vld [tilespmem:s2+$0x3D80];
	v38 =	vmax.f32 v16, v38;
	v45 =	vsub.f32 v4, v45;
	v46 =	vsub.f32 v60, v46  }
0x148: {  	v44 =	vsub.f32 v44, v54;
	v33 =	vsub.f32 v33, v38;
	v36 =	vmax.f32 v36, $0.0e+00  }
0x149: {  	v37 =	vmax.f32 v37, $0.0e+00;
	v40 =	vmax.f32 v40, $0.0e+00;
	v47 =	vmax.f32 v47, $0.0e+00  }
0x14a: {  	v43 =	vmax.f32 v43, $0.0e+00;
	v54 =	vmax.f32 v42, $0.0e+00;
	v32 =	vmax.f32 v32, $0.0e+00  }
0x14b: {  	v41 =	vmax.f32 v41, $0.0e+00;
	v59 =	vmax.f32 v46, $0.0e+00;
	v60 =	vmax.f32 v44, $0.0e+00  }
0x14c: {  	v33 =	vmax.f32 v33, $0.0e+00;
	v41 =	vmul.f32 v41, v47;
	v7 =	vmin.f32 v14, v50  }
0x14d: {  	v62 =	vmin.f32 v23, v50;
	v50 =	vmin.f32 v19, v50;
	v52 =	vsub.f32 v7, v61  }
0x14e: {  	v61 =	vmax.f32 v21, v56;
	v8 =	vsub.f32 v62, v8;
	v50 =	vsub.f32 v50, v55  }
0x14f: {  	v55 =	vmax.f32 v16, v56;
	v31 =	vsub.f32 v31, v41;
	v41 =	vadd.f32 v41, v41  }
0x150: {  	v56 =	vmax.f32 v45, $0.0e+00;
	v1 =	vsub.f32 v1, v61;
	v5 =	vsub.f32 v5, v55  }
0x151: {  	v62 =	vld [tilespmem:s2+$0x8F90];
	v52 =	vmax.f32 v52, $0.0e+00;
	v8 =	vmax.f32 v8, $0.0e+00;
	vm4 =	vgt.f32 v41, v31  }
0x152: {  	v31 =	vmul.f32 v36, v60;
	v36 =	vmul.f32 v54, v33;
	v1 =	vmax.f32 v1, $0.0e+00  }
0x153: {  	v61 =	vmax.f32 v50, $0.0e+00;
	v1 =	vmul.f32 v8, v1;
	v8 =	vmul.f32 v59, v37  }
0x154: {  	v50 =	vld [tilespmem:s2+$0x8F80];
	v5 =	vmax.f32 v5, $0.0e+00;
	v51 =	vmul.f32 v52, v56;
	v56 =	vsub.f32 v49, v58  }
0x155: {  	v52 =	vld [tilespmem:s2+$0x6690];
	v5 =	vmul.f32 v61, v5;
	v35 =	vsub.f32 v35, v8;
	v8 =	vadd.f32 v8, v8  }
0x156: {  	v41 =	vsel vm4, $0xFF800000, v62;
	v39 =	vsub.f32 v39, v1;
	v1 =	vadd.f32 v1, v1  }
0x157: {  	v53 =	vld [tilespmem:s2+$0x8FA0];
	v30 =	vsub.f32 v30, v51;
	vm5 =	vgt.f32 v8, v35;
	v8 =	vsub.f32 v34, v31  }
0x158: {  	v55 =	vld [tilespmem:s2+$0x7B00];
	v31 =	vadd.f32 v31, v31;
	vm4 =	vgt.f32 v1, v39;
	v1 =	vsub.f32 v57, v5  }
0x159: {  	v60 =	vmax.f32 v56, $0.0e+00;
	v5 =	vadd.f32 v5, v5;
	v35 =	vsub.f32 v48, v36  }
0x15a: {  	v58 =	vsel vm4, $0xFF800000, v50;
	v37 =	vsel vm5, $0xFF800000, v52;
	vm4 =	vgt.f32 v31, v8;
	v8 =	vld [tilespmem:s2+$0x6680]  }
0x15b: {  	vm6 =	vgt.f32 v58, v26;
	v31 =	vadd.f32 v51, v51;
	vm5 =	vgt.f32 v5, v1  }
0x15c: {  	[tilespmem:$0x1FFB0] =	vst v6;
	v1 =	vmul.f32 v60, v40;
	v59 =	vsel vm6, v58, v26;
	v61 =	vsel vm4, $0xFF800000, v53  }
0x15d: {  	[tilespmem:s2+$0x8F90] =	vst v41;
	v33 =	vsel vm6, v63, v2;
	v38 =	vsel vm5, $0xFF800000, v55;
	vm7 =	vgt.f32 v31, v30  }
0x15e: {  	[tilespmem:s2+$0x8F80] =	vst v58;
	vm6 =	vgt.f32 v38, v26;
	v29 =	vsub.f32 v29, v1;
	v1 =	vadd.f32 v1, v1  }
0x15f: {  	[tilespmem:s2+$0x6690] =	vst v37;
	vm4 =	vgt.f32 v41, v59;
	v30 =	vsel vm6, v63, v2;
	v62 =	vsel vm7, $0xFF800000, v8  }
0x160: {  	v39 =	vld [tilespmem:s2+$0x7B10];
	[tilespmem:s2+$0x8FA0] =	vst v61;
	vm8 =	vgt.f32 v1, v29;
	v8 =	vsel vm4, v41, v59;
	vm7 =	vgt.f32 v62, v26  }
0x161: {  	v34 =	vld [tilespmem:s2+$0x66A0];
	[tilespmem:s2+$0x7B00] =	vst v38;
	v41 =	vmul.f32 v32, v43;
	vm5 =	vgt.f32 v61, v8;
	v40 =	vsel vm7, v62, v26  }
0x162: {  	s22 =	simm.s32 $0xC0;
	s0 =	simm.s32 $0x0;
	v32 =	vld [tilespmem:s2+$0x7B20];
	[tilespmem:s2+$0x6680] =	vst v62;
	v31 =	vsel vm7, v63, v2;
	v29 =	vsel vm5, v61, v8;
	vm7 =	vgt.f32 v37, v40  }
.LBB2_8:
0x163: {  	s21 =	smov.u32 s22  }
0x164: {  	s23 =	sshra.s32 s22, $0x2;
	v1 =	vsel vm7, v25, v31;
	v5 =	vsub.f32 v28, v41;
	v8 =	vadd.f32 v36, v36;
	s0 =	sadd.s32 $0x30, s0;
	s21 =	sadd.s32 $0xC0, s22  }
0x165: {  	p1 =	sne.s32 s22, $0x4F80;
	v26 =	vsel vm6, v38, v26;
	v28 =	vsel vm7, v37, v40;
	v31 =	vsel vm8, $0xFF800000, v39;
	v36 =	vld [tilespmem:s23+$0x5200]  }
0x166: {  	v38 =	vadd.f32 v41, v41;
	vm6 =	vgt.f32 v31, v26;
	vm7 =	vgt.f32 v8, v35;
	v37 =	vld [tilespmem:s23+$0x5210];
	[tilespmem:s2+$0x7B10] =	vst v31  }
0x167: {  	v26 =	vsel vm6, v31, v26;
	v31 =	vsel vm4, v25, v33;
	v32 =	vsel vm7, $0xFF800000, v32;
	v8 =	vld [tilespmem:s23+$0x2910]  }
0x168: {  	v25 =	vsel vm6, v25, v30;
	vm4 =	vgt.f32 v38, v5;
	vm6 =	vgt.f32 v32, v26;
	v39 =	vld [tilespmem:s23+$0x3DA0];
	[tilespmem:s2+$0x7B20] =	vst v32  }
0x169: {  	s22 =	sadd.s32 $0x20, s0;
	v34 =	vsel vm4, $0xFF800000, v34;
	v26 =	vsel vm6, v32, v26;
	v30 =	vsel vm6, v10, v25;
	v5 =	vld [tilespmem:s23+$0x2920]  }
0x16a: {  	v33 =	vsel vm5, v10, v31;
	v25 =	vor.u32 s22, v0;
	vm4 =	vgt.f32 v34, v28;
	v38 =	vld [tilespmem:s23+$0x5220];
	[tilespmem:s2+$0x66A0] =	vst v34;
	s2 =	smov.u32 s23  }
0x16b: {  	s22 =	sadd.s32 $0x10, s0;
	v31 =	vsel vm4, v34, v28;
	v32 =	vsel vm4, v10, v1;
	v10 =	vmovc v25;
	v40 =	vadd.f32 v37, v15;
	v41 =	vld [tilespmem:s2+$0x14A0]  }
0x16c: {  	v25 =	vor.u32 s22, v0;
	v34 =	vadd.f32 v37, v20;
	v1 =	vmin.f32 v13, v8;
	v42 =	vld [tilespmem:s2+$0x20]  }
0x16d: {  	v43 =	vadd.f32 v36, v24;
	v45 =	vmin.f32 v18, v8;
	v44 =	vld [tilespmem:s2+$0x10];
	v46 =	vmin.f32 v19, v39  }
0x16e: {  	v50 =	vmin.f32 v23, v39;
	v47 =	vld [tilespmem:s2+$0x1490];
	v48 =	vmin.f32 v13, v5;
	v49 =	vmin.f32 v22, v5  }
0x16f: {  	v8 =	vmin.f32 v22, v8;
	v51 =	vld [tilespmem:s2+$0x0];
	v28 =	vadd.f32 v38, v15;
	v35 =	vadd.f32 v38, v20  }
0x170: {  	v37 =	vadd.f32 v37, v24;
	v39 =	vmin.f32 v14, v39;
	v52 =	vld [tilespmem:s2+$0x3D90];
	v53 =	vmax.f32 v17, v41  }
0x171: {  	v56 =	vmax.f32 v12, v41;
	v54 =	vld [tilespmem:s2+$0x3D80];
	v55 =	vmax.f32 v11, v42;
	v46 =	vsub.f32 v46, v53  }
0x172: {  	v38 =	vadd.f32 v38, v24;
	v53 =	vld [tilespmem:s2+$0x2900];
	v57 =	vmax.f32 v11, v44;
	v58 =	vmax.f32 v21, v44  }
0x173: {  	v44 =	vmax.f32 v16, v44;
	v59 =	vld [tilespmem:s2+$0x1480];
	v8 =	vsub.f32 v8, v58;
	v58 =	vmax.f32 v21, v42  }
0x174: {  	v60 =	vadd.f32 v36, v20;
	v5 =	vmin.f32 v18, v5;
	v61 =	vmax.f32 v17, v47  }
0x175: {  	v62 =	vadd.f32 v36, v15;
	v44 =	vsub.f32 v45, v44;
	v36 =	vmin.f32 v14, v52  }
0x176: {  	v39 =	vsub.f32 v39, v56;
	v1 =	vsub.f32 v1, v57;
	v45 =	vmin.f32 v23, v52  }
0x177: {  	v57 =	vmax.f32 v27, v47;
	v52 =	vmin.f32 v19, v52;
	v56 =	vmin.f32 v14, v54  }
0x178: {  	v42 =	vmax.f32 v16, v42;
	v2 =	vmin.f32 v23, v54;
	v63 =	vmax.f32 v12, v59  }
0x179: {  	v41 =	vmax.f32 v27, v41;
	v56 =	vsub.f32 v56, v63;
	v63 =	vmax.f32 v21, v51  }
0x17a: {  	v3 =	vor.u32 s0, v0;
	v4 =	vmin.f32 v18, v53;
	v6 =	vmax.f32 v27, v59  }
0x17b: {  	v41 =	vsub.f32 v50, v41;
	v7 =	vmin.f32 v22, v53;
	v56 =	vmax.f32 v56, $0.0e+00  }
0x17c: {  	v50 =	vmax.f32 v11, v51;
	v54 =	vmin.f32 v19, v54;
	v45 =	vsub.f32 v45, v57  }
0x17d: {  	v41 =	vmax.f32 v41, $0.0e+00;
	v53 =	vmin.f32 v13, v53;
	v57 =	vmax.f32 v17, v59  }
0x17e: {  	v1 =	vmax.f32 v1, $0.0e+00;
	v45 =	vmax.f32 v45, $0.0e+00;
	v7 =	vsub.f32 v7, v63  }
0x17f: {  	v8 =	vmax.f32 v8, $0.0e+00;
	v2 =	vsub.f32 v2, v6;
	v6 =	vmax.f32 v44, $0.0e+00  }
0x180: {  	v44 =	vsub.f32 v54, v57;
	v8 =	vmul.f32 v45, v8;
	v45 =	vsub.f32 v48, v55  }
0x181: {  	v47 =	vmax.f32 v12, v47;
	v48 =	vsub.f32 v53, v50;
	v7 =	vmax.f32 v7, $0.0e+00  }
0x182: {  	v36 =	vsub.f32 v36, v47;
	v47 =	vsub.f32 v49, v58;
	v2 =	vmax.f32 v2, $0.0e+00  }
0x183: {  	v5 =	vsub.f32 v5, v42;
	v49 =	vmax.f32 v16, v51;
	v45 =	vmax.f32 v45, $0.0e+00  }
0x184: {  	v4 =	vsub.f32 v4, v49;
	v36 =	vmax.f32 v36, $0.0e+00;
	v42 =	vmax.f32 v48, $0.0e+00  }
0x185: {  	v1 =	vmul.f32 v36, v1;
	v2 =	vmul.f32 v2, v7;
	v7 =	vmax.f32 v47, $0.0e+00  }
0x186: {  	v36 =	vmax.f32 v44, $0.0e+00;
	v37 =	vsub.f32 v37, v8;
	v8 =	vadd.f32 v8, v8  }
0x187: {  	v4 =	vmax.f32 v4, $0.0e+00;
	v40 =	vsub.f32 v40, v1;
	v43 =	vsub.f32 v43, v2;
	v44 =	vld [tilespmem:s2+$0x8F90]  }
0x188: {  	v1 =	vadd.f32 v1, v1;
	vm4 =	vgt.f32 v8, v37;
	v7 =	vmul.f32 v41, v7;
	v47 =	vld [tilespmem:s2+$0x8F80]  }
0x189: {  	v5 =	vmax.f32 v5, $0.0e+00;
	v4 =	vmul.f32 v36, v4;
	v8 =	vmul.f32 v56, v42  }
0x18a: {  	vm5 =	vgt.f32 v1, v40;
	v2 =	vadd.f32 v2, v2;
	v1 =	vsub.f32 v38, v7;
	v37 =	vld [tilespmem:s2+$0x6690]  }
0x18b: {  	v36 =	vmax.f32 v46, $0.0e+00;
	v38 =	vsub.f32 v52, v61;
	v7 =	vadd.f32 v7, v7;
	v40 =	vld [tilespmem:s2+$0x8FA0]  }
0x18c: {  	v36 =	vmul.f32 v36, v5;
	vm6 =	vgt.f32 v2, v43;
	v2 =	vsel vm4, $0xFF800000, v44  }
0x18d: {  	v41 =	vsub.f32 v60, v4;
	vm4 =	vgt.f32 v7, v1;
	v5 =	vld [tilespmem:s2+$0x7B00];
	v42 =	vsel vm6, $0xFF800000, v47;
	[tilespmem:s2+$0x8F90] =	vst v2  }
0x18e: {  	v4 =	vadd.f32 v4, v4;
	v7 =	vmax.f32 v39, $0.0e+00;
	v1 =	vld [tilespmem:s2+$0x6680];
	[tilespmem:s2+$0x8F80] =	vst v42;
	vm6 =	vgt.f32 v42, v29  }
0x18f: {  	v39 =	vadd.f32 v8, v8;
	v29 =	vsel vm6, v42, v29;
	v37 =	vsel vm5, $0xFF800000, v37  }
0x190: {  	v38 =	vmax.f32 v38, $0.0e+00;
	v8 =	vsub.f32 v62, v8;
	[tilespmem:s2+$0x6690] =	vst v37;
	v42 =	vsel vm4, $0xFF800000, v40  }
0x191: {  	v35 =	vsub.f32 v35, v36;
	vm5 =	vgt.f32 v4, v41;
	vm4 =	vgt.f32 v2, v29;
	[tilespmem:s2+$0x8FA0] =	vst v42  }
0x192: {  	vm7 =	vgt.f32 v39, v8;
	v33 =	vsel vm6, v3, v33;
	v4 =	vmul.f32 v38, v6  }
.Ltmp3:
0x193: {  	v2 =	vsel vm4, v2, v29;
	v38 =	vsel vm5, $0xFF800000, v5;
	v1 =	vsel vm7, $0xFF800000, v1;
	(pc) =	sbr.rel @p1 .LBB2_8-.Ltmp3, $4  }
0x194: {  	v5 =	vsub.f32 v34, v4;
	vm5 =	vgt.f32 v42, v2;
	vm6 =	vgt.f32 v38, v26;
	[tilespmem:s2+$0x6680] =	vst v1;
	v39 =	vld [tilespmem:s2+$0x7B10]  }
0x195: {  	v4 =	vadd.f32 v4, v4;
	vm7 =	vgt.f32 v1, v31;
	v30 =	vsel vm6, v3, v30;
	[tilespmem:s2+$0x7B00] =	vst v38  }
0x196: {  	v41 =	vmul.f32 v7, v45;
	v40 =	vsel vm7, v1, v31;
	v31 =	vsel vm7, v3, v32;
	v32 =	vld [tilespmem:s2+$0x7B20]  }
0x197: {  	s22 =	smov.u32 s21;
	v29 =	vsel vm5, v42, v2;
	vm8 =	vgt.f32 v4, v5;
	vm7 =	vgt.f32 v37, v40;
	v34 =	vld [tilespmem:s2+$0x66A0]  }
0x198: {  	_ = 	snop  }
0x199: {  	v1 =	vsub.f32 v28, v41;
	v2 =	vadd.f32 v41, v41  }
0x19a: {  	v3 =	vadd.f32 v36, v36;
	v4 =	vsel vm6, v38, v26;
	v18 =	vld [tilespmem:$0x1FFC0]  }
0x19b: {  	v5 =	vsel vm7, v37, v40;
	v6 =	vsel vm8, $0xFF800000, v39;
	vm15 =	vgt.f32 v2, v1  }
0x19c: {  	vm8 =	vgt.f32 v6, v4;
	vm9 =	vgt.f32 v3, v35;
	v1 =	vsel vm15, $0xFF800000, v34  }
0x19d: {  	v19 =	vld [tilespmem:$0x1FFD0];
	v2 =	vsel vm8, v6, v4;
	v3 =	vsel vm9, $0xFF800000, v32;
	vm6 =	vgt.f32 v1, v5  }
0x19e: {  	vm9 =	vgt.f32 v3, v2;
	v4 =	vsel vm6, v1, v5  }
0x19f: {  	v2 =	vsel vm9, v3, v2;
	v5 =	vperm.xlane v4, v18  }
0x1a0: {  	v20 =	vld [tilespmem:$0x1FFE0];
	v8 =	vperm.xlane v29, v18;
	v7 =	vperm.xlane v2, v18  }
0x1a1: {  	v5 =	vmax.f32 v4, v5  }
0x1a2: {  	v8 =	vmax.f32 v29, v8;
	v7 =	vmax.f32 v2, v7;
	v11 =	vperm.xlane v5, v19  }
0x1a3: {  	v21 =	vld [tilespmem:$0x1FFF0];
	v13 =	vperm.xlane v8, v19;
	v12 =	vperm.xlane v7, v19  }
0x1a4: {  	v5 =	vmax.f32 v5, v11  }
0x1a5: {  	v8 =	vmax.f32 v8, v13;
	v7 =	vmax.f32 v7, v12;
	v11 =	vperm.xlane v5, v20  }
0x1a6: {  	v15 =	vsel vm4, v25, v33;
	v14 =	vperm.xlane v8, v20;
	v13 =	vperm.xlane v7, v20  }
0x1a7: {  	v16 =	vsel vm8, v25, v30;
	v12 =	vsel vm7, v25, v31;
	v5 =	vmax.f32 v5, v11  }
0x1a8: {  	v8 =	vmax.f32 v8, v14;
	v7 =	vmax.f32 v7, v13;
	v11 =	vperm.xlane v5, v21  }
0x1a9: {  	v13 =	vsel vm9, v10, v16;
	v16 =	vperm.xlane v8, v21;
	v14 =	vperm.xlane v7, v21  }
0x1aa: {  	v15 =	vsel vm5, v10, v15;
	v17 =	vsel vm6, v10, v12;
	v12 =	vmax.f32 v5, v11  }
0x1ab: {  	v10 =	vmax.f32 v8, v16;
	v11 =	vmax.f32 v7, v14;
	vm9 =	veq.f32 v4, v12  }
0x1ac: {  	vm11 =	veq.f32 v29, v10;
	vm10 =	veq.f32 v2, v11;
	v4 =	vnsel vm9, $0x7FFFFFFF, v17  }
0x1ad: {  	v7 =	vnsel vm11, $0x7FFFFFFF, v15;
	v5 =	vnsel vm10, $0x7FFFFFFF, v13;
	v2 =	vperm.xlane v4, v18  }
0x1ae: {  	v13 =	vperm.xlane v7, v18;
	v8 =	vperm.xlane v5, v18  }
0x1af: {  	vm12 =	vlt.s32 v4, v2  }
0x1b0: {  	vm5 =	vlt.s32 v7, v13;
	vm13 =	vlt.s32 v5, v8;
	v2 =	vsel vm12, v4, v2  }
0x1b1: {  	v7 =	vsel vm5, v7, v13;
	v5 =	vsel vm13, v5, v8;
	v4 =	vperm.xlane v2, v19  }
0x1b2: {  	v16 =	vimm.s32 $0x0;
	v13 =	vperm.xlane v7, v19;
	v8 =	vperm.xlane v5, v19  }
0x1b3: {  	v14 =	vsel vm1, $0x1, v16;
	vm14 =	vlt.s32 v2, v4  }
0x1b4: {  	vm5 =	vlt.s32 v7, v13;
	vm15 =	vlt.s32 v5, v8;
	v2 =	vsel vm14, v2, v4  }
0x1b5: {  	[tilespmem:s2+$0x7B10] =	vst v6;
	v6 =	vld [tilespmem:$0x1FFB0];
	v7 =	vsel vm5, v7, v13;
	v5 =	vsel vm15, v5, v8;
	v4 =	vperm.xlane v2, v20  }
0x1b6: {  	v9 =	vadd.s32 v14, v9;
	v14 =	vld [tilespmem:$0x1FFA0];
	v13 =	vperm.xlane v7, v20;
	v8 =	vperm.xlane v5, v20  }
0x1b7: {  	s31 =	sadd.s32 $0x1, s31;
	v15 =	vsel vm2, $0x1, v16;
	vm1 =	vlt.s32 v2, v4  }
0x1b8: {  	p1 =	sne.s32 s31, $0x64;
	vm2 =	vlt.s32 v7, v13;
	v2 =	vsel vm1, v2, v4;
	vm1 =	vlt.s32 v5, v8  }
.Ltmp4:
0x1b9: {  	v7 =	vsel vm2, v7, v13;
	v4 =	vperm.xlane v2, v21;
	v5 =	vsel vm1, v5, v8;
	(pc) =	sbr.rel @p1 .LBB2_7-.Ltmp4, $4  }
0x1ba: {  	v8 =	vsel vm3, $0x1, v16;
	v16 =	vperm.xlane v7, v21;
	v13 =	vperm.xlane v5, v21  }
0x1bb: {  	v14 =	vadd.s32 v15, v14;
	v6 =	vadd.s32 v8, v6  }
0x1bc: {  	[tilespmem:s2+$0x7B20] =	vst v3;
	vm1 =	vlt.s32 v2, v4;
	vm3 =	vlt.s32 v7, v16;
	vm2 =	vlt.s32 v5, v13  }
0x1bd: {  	[tilespmem:s2+$0x66A0] =	vst v1;
	v15 =	vsel vm1, v2, v4;
	v27 =	vsel vm3, v7, v16;
	v20 =	vsel vm2, v5, v13  }
0x1be: {  	[tilespmem:$0xA470] =	vst v9  }
0x1bf: {  	[hbm4b:s10+s3] =	stream.linear.scatter [tilespmem:s24], [sflag:$0x1], $0x80, $0x38;
	[tilespmem:$0xA580] =	vst v63  }
0x1c0: {  	_ =	swait.ge [sflag:s16], $0x80  }
0x1c1: {  	[sflag:s16] =	ssyncset.done $0x0  }
0x1c2: {  	[sflag:s16] =	ssyncadd.s32 $0xFFFFFF80  }
0x1c3: {  	[tilespmem:$0xA4F0] =	vst v14  }
0x1c4: {  	[hbm4b:s11+s3] =	stream.linear.scatter [tilespmem:s26], [sflag:$0x1], $0x80, $0x38;
	[tilespmem:$0xA580] =	vst v63  }
0x1c5: {  	_ =	swait.ge [sflag:s16], $0x80  }
0x1c6: {  	[sflag:s16] =	ssyncset.done $0x0  }
0x1c7: {  	s29 =	sadd.s32 $0x1, s29;
	[sflag:s16] =	ssyncadd.s32 $0xFFFFFF80  }
0x1c8: {  	s0 =	simm.s32 @!p0 $0x0;
	s2 =	simm.s32 @!p0 $0xA500;
	p1 =	sne.s32 s29, s13;
	[tilespmem:$0xA570] =	vst v6  }
0x1c9: {  	[hbm4b:s12+s0] =	stream.linear.scatter @!p0 [tilespmem:s2], [sflag:$0x1], $0x80, $0x38;
	[tilespmem:$0xA580] =	vst v63  }
.Ltmp5:
0x1ca: {  	_ = 	snop;
	(pc) =	sbr.rel @p1 .LBB2_2-.Ltmp5, $4  }
0x1cb: {  	s0 =	simm.s32 @!p0 $0x1  }
0x1cc: {  	_ =	swait.ge @!p0 [sflag:s0], $0x80  }
0x1cd: {  	[sflag:s0] =	ssyncset.done @!p0 $0x0  }
0x1ce: {  	[sflag:s0] =	ssyncadd.s32 @!p0 $0xFFFFFF80  }
.LBB2_11:
0x1cf: {  	_ =	sfence.sel $0x180000  }
0x1d0: {  	[bflag:$0x0] =	sbarrier.arrive $0xFFFF  }
0x1d1: {  	_ =	strace $0x90000047  }
0x1d2: {  	s0 =	stileid.u32;
	[bflag:$0x2] =	sbarrier.arrive $0xFFFF  }
0x1d3: {  	p0 =	sne.s32 s0, $0x0;
	s0 =	rddreg [dreg:$0x3]  }
0x1d4: {  	s0 =	sadd.s32 @!p0 $0x100000, s0  }
0x1d5: {  	[sflag:s0] =	ssyncadd.tile.s32 @!p0 $0x1;
	_ =	shalt  }
.Lfunc_end2:
_tile_overlayer_lowered:
.L_overlay_start_2:
0x1d6: {  	(tag) =	ssettag $0x2  }
0x1d7: {  	s0 =	rddreg [dreg:$0x0];
	s2 =	stileid.u32  }
0x1d8: {  	s1 =	rddreg [dreg:$0x1];
	p0 =	sne.s32 s2, $0x0  }
0x1d9: {  	s3 =	rddreg [dreg:$0x2];
	[bflag:$0x3] =	sbarrier.arrive $0xFFFF;
	s2 =	simm.s32 @!p0 $0x1C01  }
0x1da: {  	[timem:s3], [sflag:s2] =	dma.local @!p0 [hbm:s0], s1  }
0x1db: {  	s0 =	simm.s32 @!p0 $0x1  }
0x1dc: {  	_ =	swait.ge @!p0 [sflag:s0], s1  }
0x1dd: {  	s1 =	ssub.s32 @!p0 $0x0, s1;
	[sflag:s0] =	ssyncset.done @!p0 $0x0  }
0x1de: {  	[sflag:s0] =	ssyncadd.s32 @!p0 s1  }
0x1df: {  	[bflag:$0x3] =	sbarrier.arrive $0xFFFF  }
0x1e0: {  	_ =	shalt  }

</sc_bundles>
